<compile_context>
chip_gen: v7x
topology: tpu7x:2x2x1
jax: 0.10.2.dev20260603
libtpu: 0.0.44.dev20260713+nightly
codegen_flags: <defaults>
</compile_context>

<pallas_src>
import jax
import jax.numpy as jnp
from jax import lax
from jax.experimental import pallas as pl
from jax.experimental.pallas import tpu as pltpu
from jax.experimental.pallas import tpu_sc as plsc

B = 4096
L = 50
LP = 64
D = 768
LANES = 16
NV = D // LANES
NW = 32
BW = B // NW
GRP = 8
CH = 16
RING = 128
NSLOT = RING // CH
PACK = BW * L + 2 * CH


def _sc_body(ids_hbm, len_hbm, table_hbm, out_hbm,
             ids_v, len_v, packed, ring, oslab, sem, fsem):
  cid = lax.axis_index("c")
  sid = lax.axis_index("s")
  wid = sid * 2 + cid
  base = pl.multiple_of(wid * BW, BW)

  pltpu.sync_copy(ids_hbm.at[pl.ds(base, BW)], ids_v)
  pltpu.sync_copy(len_hbm.at[pl.ds(base, BW + LANES)], len_v)

  zero = jnp.zeros((LANES,), jnp.float32)
  izero = jnp.zeros((LANES,), jnp.int32)

  def row_len(b):
    l16 = len_v[pl.ds(b, LANES)]
    return l16[0]

  def compact(b, cum):
    for j in range(LP // LANES):
      v = ids_v[b, pl.ds(LANES * j, LANES)]
      packed[pl.ds(cum + LANES * j, LANES)] = v
    return cum + row_len(b)

  total = lax.fori_loop(0, BW, compact, 0)
  packed[pl.ds(total, LANES)] = izero
  packed[pl.ds(total + LANES, LANES)] = izero

  nch = lax.shift_right_logical(total + CH - 1, 4)

  def issue(io, ioff):
    slot = lax.shift_right_logical(ioff, 4)
    pltpu.async_copy(
        table_hbm.at[packed.at[pl.ds(pl.multiple_of(io * CH, 8), CH)]],
        ring.at[pl.ds(pl.multiple_of(ioff, 8), CH)],
        sem.at[slot])

  def wait_chunk(ci):
    slot = jnp.bitwise_and(ci, NSLOT - 1)
    pltpu.make_async_copy(
        table_hbm.at[pl.ds(0, CH)],
        ring.at[pl.ds(0, CH)],
        sem.at[slot]).wait()

  for i in range(NSLOT):
    @pl.when(i < nch)
    def _():
      issue(i, i * CH)

  io0 = jnp.minimum(nch, NSLOT)

  def process(b, carry):
    cc, dc, io = carry
    lenb = row_len(b)

    @pl.when(jnp.logical_and(jnp.bitwise_and(b, GRP - 1) == 0, b > 0))
    def _wait_flush():
      pltpu.make_async_copy(
          oslab, out_hbm.at[pl.ds(0, GRP)], fsem).wait()

    tc = jnp.minimum(lax.shift_right_logical(cc + lenb + CH - 1, 4), nch)
    for i in range(5):
      @pl.when(i < tc - dc)
      def _():
        wait_chunk(dc + i)
    dc = jnp.maximum(dc, tc)

    rpos0 = jnp.bitwise_and(cc, RING - 1)

    def abody(p, acc):
      rpos = acc[0]
      vals = tuple(acc[1][k] + ring[rpos, pl.ds(LANES * k, LANES)]
                   for k in range(NV))
      rpos = rpos + 1
      rpos = jnp.where(rpos == RING, 0, rpos)
      return (rpos, vals)

    _, acc = lax.fori_loop(0, lenb, abody, (rpos0, (zero,) * NV))
    cc = cc + lenb

    target = jnp.minimum(nch, lax.shift_right_logical(cc + RING, 4))
    for i in range(5):
      @pl.when(io + i < target)
      def _():
        ci = io + i
        issue(ci, jnp.bitwise_and(ci * CH, RING - 1))
    io = jnp.maximum(io, target)

    i16 = jnp.bitwise_and(b, GRP - 1)
    lsplat = jnp.full((LANES,), jnp.maximum(lenb, 1), jnp.int32)
    invv = jnp.float32(1.0) / lsplat.astype(jnp.float32)
    for k in range(NV):
      oslab[i16, pl.ds(LANES * k, LANES)] = acc[k] * invv

    @pl.when(i16 == GRP - 1)
    def _flush():
      off = pl.multiple_of(base + b - (GRP - 1), GRP)
      pltpu.async_copy(oslab, out_hbm.at[pl.ds(off, GRP)], fsem)

    return (cc, dc, io)

  lax.fori_loop(0, BW, process, (0, 0, io0))
  pltpu.make_async_copy(oslab, out_hbm.at[pl.ds(0, GRP)], fsem).wait()


@jax.jit
def _run(ids_pad, seq_len, table):
  mesh = plsc.VectorSubcoreMesh(core_axis_name="c", subcore_axis_name="s")
  f = pl.kernel(
      _sc_body,
      out_type=jax.ShapeDtypeStruct((B, D), jnp.float32),
      mesh=mesh,
      scratch_types=[
          pltpu.VMEM((BW, LP), jnp.int32),
          pltpu.VMEM((BW + LANES,), jnp.int32),
          pltpu.VMEM((PACK,), jnp.int32),
          pltpu.VMEM((RING, D), jnp.float32),
          pltpu.VMEM((GRP, D), jnp.float32),
          pltpu.SemaphoreType.DMA((NSLOT,)),
          pltpu.SemaphoreType.DMA,
      ],
  )
  return f(ids_pad, seq_len, table)


def kernel(seq_ids, seq_len, table):
  ids_pad = jnp.pad(seq_ids.astype(jnp.int32), ((0, 0), (0, LP - L)))
  len_pad = jnp.pad(seq_len.astype(jnp.int32), (0, LANES), constant_values=1)
  return _run(ids_pad, len_pad, table)

# --- scband reference (transcript-rebuilt; emitter-appended) ---
"""Pipeline reference for scband-transfer-embedding-50216757625394 (READ-ONLY COPY).

The authoritative reference and input builder live on the scoring server;
editing this copy changes nothing except your own understanding.
"""

import jax, jax.numpy as jnp
import numpy as np

VOCAB = 30522  # bert-base-uncased vocab
EMBED_DIM = 768
BATCH = 4096
SEQ_LEN = 50


def setup_inputs(seed: int = 0) -> dict:
    key = jax.random.key(seed)
    k1, k2, k3 = jax.random.split(key, 3)
    seq_ids = jax.random.randint(k1, (BATCH, SEQ_LEN), 0, VOCAB)
    # valid lengths in [1, SEQ_LEN]
    seq_len = jax.random.randint(k2, (BATCH,), 1, SEQ_LEN + 1)
    # pretrained word-embedding table (stand-in for transfer_model.embeddings.word_embeddings)
    table = jax.random.normal(k3, (VOCAB, EMBED_DIM), dtype=jnp.float32) * 0.02
    return {"seq_ids": seq_ids, "seq_len": seq_len, "table": table}


def reference(seq_ids, seq_len, table):
    # embedding lookup: [B, L] -> [B, L, D]
    embed_seq = jnp.take(table, seq_ids, axis=0)
    # Squeezer: length-masked mean pooling over the time dimension -> [B, D]
    L = embed_seq.shape[1]
    mask = (jnp.arange(L)[None, :] < seq_len[:, None]).astype(embed_seq.dtype)
    summed = jnp.sum(embed_seq * mask[:, :, None], axis=1)
    denom = jnp.maximum(seq_len, 1).astype(embed_seq.dtype)[:, None]
    return summed / denom

if __name__ == "__main__":
    import jax
    _d = setup_inputs()
    print(jax.jit(kernel)(*tuple(_d.values())))

</pallas_src>

<mosaic_0001>
#map = affine_map<(d0, d1) -> (0, 0)>
#map1 = affine_map<(d0, d1) -> (0)>
module attributes {stable_mosaic.version = 14 : i64} {
  func.func @_sc_body(%arg0: i32, %arg1: i32, %arg2: memref<4096x64xi32, #tpu.memory_space<hbm>>, %arg3: memref<4112xi32, #tpu.memory_space<hbm>>, %arg4: memref<30522x768xf32, #tpu.memory_space<hbm>>, %arg5: memref<4096x768xf32, #tpu.memory_space<hbm>>, %arg6: memref<128x64xi32, #tpu.memory_space<vmem>>, %arg7: memref<144xi32, #tpu.memory_space<vmem>>, %arg8: memref<6432xi32, #tpu.memory_space<vmem>>, %arg9: memref<128x768xf32, #tpu.memory_space<vmem>>, %arg10: memref<8x768xf32, #tpu.memory_space<vmem>>, %arg11: memref<8x!tpu.dma_semaphore, #tpu.memory_space<semaphore_mem>>, %arg12: memref<!tpu.dma_semaphore, #tpu.memory_space<semaphore_mem>>) attributes {dimension_semantics = [#tpu.dimension_semantics<core_parallel>, #tpu.dimension_semantics<subcore_parallel>], iteration_bounds = array<i64: 2, 16>, scalar_prefetch = 0 : i64, scratch_operands = 7 : i64, tpu.core_type = #tpu.core_type<sc_vector_subcore>, window_params = [{transform_indices = #map}, {transform_indices = #map1}, {transform_indices = #map}, {transform_indices = #map}]} {
    %mul3A = arith.constant 2 : i32
    %mul3A_0 = arith.muli %arg1, %mul3A : i32
    %add3A = arith.addi %mul3A_0, %arg0 : i32
    %mul3A_1 = arith.constant 128 : i32
    %mul3A_2 = arith.muli %add3A, %mul3A_1 : i32
    %multiple_of3A = tpu.assume_multiple %mul3A_2, 128 : i32
    "tpu.region"() ({
      %run_scoped3A = tpu.sem_alloc : memref<!tpu.dma_semaphore, #tpu.memory_space<semaphore_mem>>
      %dma_start3A = arith.constant 0 : i32
      %dma_start3A_76 = tpu.memref_slice %arg2[%multiple_of3A, %dma_start3A] : memref<4096x64xi32, #tpu.memory_space<hbm>> -> memref<128x64xi32, #tpu.memory_space<hbm>>
      %dma_start3A_77 = arith.constant 0 : i32
      %dma_start3A_78 = tpu.memref_slice %arg2[%multiple_of3A, %dma_start3A_77] : memref<4096x64xi32, #tpu.memory_space<hbm>> -> memref<128x64xi32, #tpu.memory_space<hbm>>
      tpu.enqueue_dma source(%dma_start3A_78 : memref<128x64xi32, #tpu.memory_space<hbm>>) target(%arg6 : memref<128x64xi32, #tpu.memory_space<vmem>>) target_semaphore(%run_scoped3A : memref<!tpu.dma_semaphore, #tpu.memory_space<semaphore_mem>>)
      %dma_wait3A_79 = arith.constant 0 : i32
      %dma_wait3A_80 = tpu.memref_slice %arg2[%multiple_of3A, %dma_wait3A_79] : memref<4096x64xi32, #tpu.memory_space<hbm>> -> memref<128x64xi32, #tpu.memory_space<hbm>>
      %dma_wait3A_81 = arith.constant 0 : i32
      %dma_wait3A_82 = tpu.memref_slice %arg2[%multiple_of3A, %dma_wait3A_81] : memref<4096x64xi32, #tpu.memory_space<hbm>> -> memref<128x64xi32, #tpu.memory_space<hbm>>
      tpu.wait_dma2 semaphore(%run_scoped3A : memref<!tpu.dma_semaphore, #tpu.memory_space<semaphore_mem>>) src(%dma_wait3A_82 : memref<128x64xi32, #tpu.memory_space<hbm>>) dst(%arg6 : memref<128x64xi32, #tpu.memory_space<vmem>>)
      tpu.yield
    }) : () -> ()
    "tpu.region"() ({
      %run_scoped3A = tpu.sem_alloc : memref<!tpu.dma_semaphore, #tpu.memory_space<semaphore_mem>>
      %dma_start3A = tpu.memref_slice %arg3[%multiple_of3A] : memref<4112xi32, #tpu.memory_space<hbm>> -> memref<144xi32, #tpu.memory_space<hbm>>
      %dma_start3A_76 = tpu.memref_slice %arg3[%multiple_of3A] : memref<4112xi32, #tpu.memory_space<hbm>> -> memref<144xi32, #tpu.memory_space<hbm>>
      tpu.enqueue_dma source(%dma_start3A_76 : memref<144xi32, #tpu.memory_space<hbm>>) target(%arg7 : memref<144xi32, #tpu.memory_space<vmem>>) target_semaphore(%run_scoped3A : memref<!tpu.dma_semaphore, #tpu.memory_space<semaphore_mem>>)
      %dma_wait3A_77 = tpu.memref_slice %arg3[%multiple_of3A] : memref<4112xi32, #tpu.memory_space<hbm>> -> memref<144xi32, #tpu.memory_space<hbm>>
      %dma_wait3A_78 = tpu.memref_slice %arg3[%multiple_of3A] : memref<4112xi32, #tpu.memory_space<hbm>> -> memref<144xi32, #tpu.memory_space<hbm>>
      tpu.wait_dma2 semaphore(%run_scoped3A : memref<!tpu.dma_semaphore, #tpu.memory_space<semaphore_mem>>) src(%dma_wait3A_78 : memref<144xi32, #tpu.memory_space<hbm>>) dst(%arg7 : memref<144xi32, #tpu.memory_space<vmem>>)
      tpu.yield
    }) : () -> ()
    %broadcast_in_dim3A = arith.constant 0.000000e+00 : f32
    %broadcast_in_dim3A_3 = vector.broadcast %broadcast_in_dim3A : f32 to vector<16xf32>
    %broadcast_in_dim3A_4 = arith.constant 0 : i32
    %broadcast_in_dim3A_5 = vector.broadcast %broadcast_in_dim3A_4 : i32 to vector<16xi32>
    %scan3A = arith.constant 0 : i32
    %scan3A_6 = arith.constant 0 : i32
    %scan3A_7 = arith.constant 128 : i32
    %scan3A_8 = arith.addi %scan3A_6, %scan3A_7 : i32
    %scan3A_9 = arith.constant 1 : i32
    %scan3A_10 = scf.for %scan3A_76 = %scan3A_6 to %scan3A_8 step %scan3A_9 iter_args(%scan3A_77 = %scan3A) -> (i32)  : i32 {
      %get3A = arith.index_cast %scan3A_76 : i32 to index
      %get3A_78 = arith.constant 0 : index
      %get3A_79 = tpu.vector_load %arg6[%get3A, %get3A_78] {strides = array<i32>} : memref<128x64xi32, #tpu.memory_space<vmem>>, vector<1x16xi32>,
      %get3A_80 = vector.shape_cast %get3A_79 : vector<1x16xi32> to vector<16xi32>
      %add3A_81 = arith.constant 0 : i32
      %add3A_82 = arith.addi %scan3A_77, %add3A_81 : i32
      %swap3A_83 = arith.index_cast %add3A_82 : i32 to index
      %swap3A_84 = tpu.vector_load %arg8[%swap3A_83] {strides = array<i32>} : memref<6432xi32, #tpu.memory_space<vmem>>, vector<16xi32>,
      %swap3A_85 = vector.shape_cast %swap3A_84 : vector<16xi32> to vector<16xi32>
      %swap3A_86 = vector.shape_cast %get3A_80 : vector<16xi32> to vector<16xi32>
      tpu.vector_store %arg8[%swap3A_83], %swap3A_86 {strides = array<i32>} : memref<6432xi32, #tpu.memory_space<vmem>>, vector<16xi32>,
      %get3A_87 = arith.index_cast %scan3A_76 : i32 to index
      %get3A_88 = arith.constant 16 : index
      %get3A_89 = tpu.vector_load %arg6[%get3A_87, %get3A_88] {strides = array<i32>} : memref<128x64xi32, #tpu.memory_space<vmem>>, vector<1x16xi32>,
      %get3A_90 = vector.shape_cast %get3A_89 : vector<1x16xi32> to vector<16xi32>
      %add3A_91 = arith.constant 16 : i32
      %add3A_92 = arith.addi %scan3A_77, %add3A_91 : i32
      %swap3A_93 = arith.index_cast %add3A_92 : i32 to index
      %swap3A_94 = tpu.vector_load %arg8[%swap3A_93] {strides = array<i32>} : memref<6432xi32, #tpu.memory_space<vmem>>, vector<16xi32>,
      %swap3A_95 = vector.shape_cast %swap3A_94 : vector<16xi32> to vector<16xi32>
      %swap3A_96 = vector.shape_cast %get3A_90 : vector<16xi32> to vector<16xi32>
      tpu.vector_store %arg8[%swap3A_93], %swap3A_96 {strides = array<i32>} : memref<6432xi32, #tpu.memory_space<vmem>>, vector<16xi32>,
      %get3A_97 = arith.index_cast %scan3A_76 : i32 to index
      %get3A_98 = arith.constant 32 : index
      %get3A_99 = tpu.vector_load %arg6[%get3A_97, %get3A_98] {strides = array<i32>} : memref<128x64xi32, #tpu.memory_space<vmem>>, vector<1x16xi32>,
      %get3A_100 = vector.shape_cast %get3A_99 : vector<1x16xi32> to vector<16xi32>
      %add3A_101 = arith.constant 32 : i32
      %add3A_102 = arith.addi %scan3A_77, %add3A_101 : i32
      %swap3A_103 = arith.index_cast %add3A_102 : i32 to index
      %swap3A_104 = tpu.vector_load %arg8[%swap3A_103] {strides = array<i32>} : memref<6432xi32, #tpu.memory_space<vmem>>, vector<16xi32>,
      %swap3A_105 = vector.shape_cast %swap3A_104 : vector<16xi32> to vector<16xi32>
      %swap3A_106 = vector.shape_cast %get3A_100 : vector<16xi32> to vector<16xi32>
      tpu.vector_store %arg8[%swap3A_103], %swap3A_106 {strides = array<i32>} : memref<6432xi32, #tpu.memory_space<vmem>>, vector<16xi32>,
      %get3A_107 = arith.index_cast %scan3A_76 : i32 to index
      %get3A_108 = arith.constant 48 : index
      %get3A_109 = tpu.vector_load %arg6[%get3A_107, %get3A_108] {strides = array<i32>} : memref<128x64xi32, #tpu.memory_space<vmem>>, vector<1x16xi32>,
      %get3A_110 = vector.shape_cast %get3A_109 : vector<1x16xi32> to vector<16xi32>
      %add3A_111 = arith.constant 48 : i32
      %add3A_112 = arith.addi %scan3A_77, %add3A_111 : i32
      %swap3A_113 = arith.index_cast %add3A_112 : i32 to index
      %swap3A_114 = tpu.vector_load %arg8[%swap3A_113] {strides = array<i32>} : memref<6432xi32, #tpu.memory_space<vmem>>, vector<16xi32>,
      %swap3A_115 = vector.shape_cast %swap3A_114 : vector<16xi32> to vector<16xi32>
      %swap3A_116 = vector.shape_cast %get3A_110 : vector<16xi32> to vector<16xi32>
      tpu.vector_store %arg8[%swap3A_113], %swap3A_116 {strides = array<i32>} : memref<6432xi32, #tpu.memory_space<vmem>>, vector<16xi32>,
      %get3A_117 = arith.index_cast %scan3A_76 : i32 to index
      %get3A_118 = tpu.vector_load %arg7[%get3A_117] {strides = array<i32>} : memref<144xi32, #tpu.memory_space<vmem>>, vector<16xi32>,
      %get3A_119 = vector.shape_cast %get3A_118 : vector<16xi32> to vector<16xi32>
      %slice3A = vector.extract_strided_slice %get3A_119 {offsets = [0], sizes = [1], strides = [1]} : vector<16xi32> to vector<1xi32>
      %squeeze3A = vector.extract %slice3A[0] : i32 from vector<1xi32>
      %add3A_120 = arith.addi %scan3A_77, %squeeze3A : i32
      scf.yield %add3A_120 : i32
    }
    %scan3A_11 = arith.constant 128 : i32
    %swap3A = arith.index_cast %scan3A_10 : i32 to index
    %swap3A_12 = tpu.vector_load %arg8[%swap3A] {strides = array<i32>} : memref<6432xi32, #tpu.memory_space<vmem>>, vector<16xi32>,
    %swap3A_13 = vector.shape_cast %swap3A_12 : vector<16xi32> to vector<16xi32>
    %swap3A_14 = vector.shape_cast %broadcast_in_dim3A_5 : vector<16xi32> to vector<16xi32>
    tpu.vector_store %arg8[%swap3A], %swap3A_14 {strides = array<i32>} : memref<6432xi32, #tpu.memory_space<vmem>>, vector<16xi32>,
    %add3A_15 = arith.constant 16 : i32
    %add3A_16 = arith.addi %scan3A_10, %add3A_15 : i32
    %swap3A_17 = arith.index_cast %add3A_16 : i32 to index
    %swap3A_18 = tpu.vector_load %arg8[%swap3A_17] {strides = array<i32>} : memref<6432xi32, #tpu.memory_space<vmem>>, vector<16xi32>,
    %swap3A_19 = vector.shape_cast %swap3A_18 : vector<16xi32> to vector<16xi32>
    %swap3A_20 = vector.shape_cast %broadcast_in_dim3A_5 : vector<16xi32> to vector<16xi32>
    tpu.vector_store %arg8[%swap3A_17], %swap3A_20 {strides = array<i32>} : memref<6432xi32, #tpu.memory_space<vmem>>, vector<16xi32>,
    %add3A_21 = arith.constant 16 : i32
    %add3A_22 = arith.addi %scan3A_10, %add3A_21 : i32
    %sub3A = arith.constant 1 : i32
    %sub3A_23 = arith.subi %add3A_22, %sub3A : i32
    %shift_right_logical3A = arith.constant 4 : i32
    %shift_right_logical3A_24 = arith.shrui %sub3A_23, %shift_right_logical3A : i32
    %gt3A = arith.constant 0 : i32
    %gt3A_25 = arith.cmpi sgt, %shift_right_logical3A_24, %gt3A : i32
    %convert_element_type3A = arith.extui %gt3A_25 : i1 to i32
    %cond3A = arith.constant 0 : i32
    %cond3A_26 = arith.cmpi ne, %convert_element_type3A, %cond3A : i32
    scf.if %cond3A_26 {
      %shift_right_logical3A_76 = arith.constant 0 : i32
      %shift_right_logical3A_77 = arith.constant 4 : i32
      %shift_right_logical3A_78 = arith.shrui %shift_right_logical3A_76, %shift_right_logical3A_77 : i32
      %multiple_of3A_79 = arith.constant 0 : i32
      %multiple_of3A_80 = tpu.assume_multiple %multiple_of3A_79, 8 : i32
      %multiple_of3A_81 = arith.constant 0 : i32
      %multiple_of3A_82 = tpu.assume_multiple %multiple_of3A_81, 8 : i32
      %dma_start3A = arith.constant 0 : i32
      %dma_start3A_83 = tpu.memref_slice %arg9[%multiple_of3A_82, %dma_start3A] : memref<128x768xf32, #tpu.memory_space<vmem>> -> memref<16x768xf32, #tpu.memory_space<vmem>>
      %dma_start3A_84 = tpu.memref_slice %arg8[%multiple_of3A_80] : memref<6432xi32, #tpu.memory_space<vmem>> -> memref<16xi32, #tpu.memory_space<vmem>>
      %dma_start3A_85 = arith.constant 0 : i32
      %dma_start3A_86 = arith.constant 0 : i32
      %dma_start3A_87 = tpu.memref_slice %arg4[%dma_start3A_85, %dma_start3A_86] : memref<30522x768xf32, #tpu.memory_space<hbm>> -> memref<30522x768xf32, #tpu.memory_space<hbm>>
      %dma_start3A_88 = tpu.memref_slice %arg11[%shift_right_logical3A_78] : memref<8x!tpu.dma_semaphore, #tpu.memory_space<semaphore_mem>> -> memref<1x!tpu.dma_semaphore, #tpu.memory_space<semaphore_mem>>
      %dma_start3A_89 = tpu.memref_squeeze %dma_start3A_88 : memref<1x!tpu.dma_semaphore, #tpu.memory_space<semaphore_mem>> -> memref<!tpu.dma_semaphore, #tpu.memory_space<semaphore_mem>>
      tpu.enqueue_indirect_dma source(%dma_start3A_87 : memref<30522x768xf32, #tpu.memory_space<hbm>>) target(%dma_start3A_83 : memref<16x768xf32, #tpu.memory_space<vmem>>) offsets(%dma_start3A_84 : memref<16xi32, #tpu.memory_space<vmem>>) semaphore(%dma_start3A_89 : memref<!tpu.dma_semaphore, #tpu.memory_space<semaphore_mem>>)
    } else {
    }
    %gt3A_27 = arith.constant 1 : i32
    %gt3A_28 = arith.cmpi sgt, %shift_right_logical3A_24, %gt3A_27 : i32
    %convert_element_type3A_29 = arith.extui %gt3A_28 : i1 to i32
    %cond3A_30 = arith.constant 0 : i32
    %cond3A_31 = arith.cmpi ne, %convert_element_type3A_29, %cond3A_30 : i32
    scf.if %cond3A_31 {
      %shift_right_logical3A_76 = arith.constant 16 : i32
      %shift_right_logical3A_77 = arith.constant 4 : i32
      %shift_right_logical3A_78 = arith.shrui %shift_right_logical3A_76, %shift_right_logical3A_77 : i32
      %multiple_of3A_79 = arith.constant 16 : i32
      %multiple_of3A_80 = tpu.assume_multiple %multiple_of3A_79, 8 : i32
      %multiple_of3A_81 = arith.constant 16 : i32
      %multiple_of3A_82 = tpu.assume_multiple %multiple_of3A_81, 8 : i32
      %dma_start3A = arith.constant 0 : i32
      %dma_start3A_83 = tpu.memref_slice %arg9[%multiple_of3A_82, %dma_start3A] : memref<128x768xf32, #tpu.memory_space<vmem>> -> memref<16x768xf32, #tpu.memory_space<vmem>>
      %dma_start3A_84 = tpu.memref_slice %arg8[%multiple_of3A_80] : memref<6432xi32, #tpu.memory_space<vmem>> -> memref<16xi32, #tpu.memory_space<vmem>>
      %dma_start3A_85 = arith.constant 0 : i32
      %dma_start3A_86 = arith.constant 0 : i32
      %dma_start3A_87 = tpu.memref_slice %arg4[%dma_start3A_85, %dma_start3A_86] : memref<30522x768xf32, #tpu.memory_space<hbm>> -> memref<30522x768xf32, #tpu.memory_space<hbm>>
      %dma_start3A_88 = tpu.memref_slice %arg11[%shift_right_logical3A_78] : memref<8x!tpu.dma_semaphore, #tpu.memory_space<semaphore_mem>> -> memref<1x!tpu.dma_semaphore, #tpu.memory_space<semaphore_mem>>
      %dma_start3A_89 = tpu.memref_squeeze %dma_start3A_88 : memref<1x!tpu.dma_semaphore, #tpu.memory_space<semaphore_mem>> -> memref<!tpu.dma_semaphore, #tpu.memory_space<semaphore_mem>>
      tpu.enqueue_indirect_dma source(%dma_start3A_87 : memref<30522x768xf32, #tpu.memory_space<hbm>>) target(%dma_start3A_83 : memref<16x768xf32, #tpu.memory_space<vmem>>) offsets(%dma_start3A_84 : memref<16xi32, #tpu.memory_space<vmem>>) semaphore(%dma_start3A_89 : memref<!tpu.dma_semaphore, #tpu.memory_space<semaphore_mem>>)
    } else {
    }
    %gt3A_32 = arith.constant 2 : i32
    %gt3A_33 = arith.cmpi sgt, %shift_right_logical3A_24, %gt3A_32 : i32
    %convert_element_type3A_34 = arith.extui %gt3A_33 : i1 to i32
    %cond3A_35 = arith.constant 0 : i32
    %cond3A_36 = arith.cmpi ne, %convert_element_type3A_34, %cond3A_35 : i32
    scf.if %cond3A_36 {
      %shift_right_logical3A_76 = arith.constant 32 : i32
      %shift_right_logical3A_77 = arith.constant 4 : i32
      %shift_right_logical3A_78 = arith.shrui %shift_right_logical3A_76, %shift_right_logical3A_77 : i32
      %multiple_of3A_79 = arith.constant 32 : i32
      %multiple_of3A_80 = tpu.assume_multiple %multiple_of3A_79, 8 : i32
      %multiple_of3A_81 = arith.constant 32 : i32
      %multiple_of3A_82 = tpu.assume_multiple %multiple_of3A_81, 8 : i32
      %dma_start3A = arith.constant 0 : i32
      %dma_start3A_83 = tpu.memref_slice %arg9[%multiple_of3A_82, %dma_start3A] : memref<128x768xf32, #tpu.memory_space<vmem>> -> memref<16x768xf32, #tpu.memory_space<vmem>>
      %dma_start3A_84 = tpu.memref_slice %arg8[%multiple_of3A_80] : memref<6432xi32, #tpu.memory_space<vmem>> -> memref<16xi32, #tpu.memory_space<vmem>>
      %dma_start3A_85 = arith.constant 0 : i32
      %dma_start3A_86 = arith.constant 0 : i32
      %dma_start3A_87 = tpu.memref_slice %arg4[%dma_start3A_85, %dma_start3A_86] : memref<30522x768xf32, #tpu.memory_space<hbm>> -> memref<30522x768xf32, #tpu.memory_space<hbm>>
      %dma_start3A_88 = tpu.memref_slice %arg11[%shift_right_logical3A_78] : memref<8x!tpu.dma_semaphore, #tpu.memory_space<semaphore_mem>> -> memref<1x!tpu.dma_semaphore, #tpu.memory_space<semaphore_mem>>
      %dma_start3A_89 = tpu.memref_squeeze %dma_start3A_88 : memref<1x!tpu.dma_semaphore, #tpu.memory_space<semaphore_mem>> -> memref<!tpu.dma_semaphore, #tpu.memory_space<semaphore_mem>>
      tpu.enqueue_indirect_dma source(%dma_start3A_87 : memref<30522x768xf32, #tpu.memory_space<hbm>>) target(%dma_start3A_83 : memref<16x768xf32, #tpu.memory_space<vmem>>) offsets(%dma_start3A_84 : memref<16xi32, #tpu.memory_space<vmem>>) semaphore(%dma_start3A_89 : memref<!tpu.dma_semaphore, #tpu.memory_space<semaphore_mem>>)
    } else {
    }
    %gt3A_37 = arith.constant 3 : i32
    %gt3A_38 = arith.cmpi sgt, %shift_right_logical3A_24, %gt3A_37 : i32
    %convert_element_type3A_39 = arith.extui %gt3A_38 : i1 to i32
    %cond3A_40 = arith.constant 0 : i32
    %cond3A_41 = arith.cmpi ne, %convert_element_type3A_39, %cond3A_40 : i32
    scf.if %cond3A_41 {
      %shift_right_logical3A_76 = arith.constant 48 : i32
      %shift_right_logical3A_77 = arith.constant 4 : i32
      %shift_right_logical3A_78 = arith.shrui %shift_right_logical3A_76, %shift_right_logical3A_77 : i32
      %multiple_of3A_79 = arith.constant 48 : i32
      %multiple_of3A_80 = tpu.assume_multiple %multiple_of3A_79, 8 : i32
      %multiple_of3A_81 = arith.constant 48 : i32
      %multiple_of3A_82 = tpu.assume_multiple %multiple_of3A_81, 8 : i32
      %dma_start3A = arith.constant 0 : i32
      %dma_start3A_83 = tpu.memref_slice %arg9[%multiple_of3A_82, %dma_start3A] : memref<128x768xf32, #tpu.memory_space<vmem>> -> memref<16x768xf32, #tpu.memory_space<vmem>>
      %dma_start3A_84 = tpu.memref_slice %arg8[%multiple_of3A_80] : memref<6432xi32, #tpu.memory_space<vmem>> -> memref<16xi32, #tpu.memory_space<vmem>>
      %dma_start3A_85 = arith.constant 0 : i32
      %dma_start3A_86 = arith.constant 0 : i32
      %dma_start3A_87 = tpu.memref_slice %arg4[%dma_start3A_85, %dma_start3A_86] : memref<30522x768xf32, #tpu.memory_space<hbm>> -> memref<30522x768xf32, #tpu.memory_space<hbm>>
      %dma_start3A_88 = tpu.memref_slice %arg11[%shift_right_logical3A_78] : memref<8x!tpu.dma_semaphore, #tpu.memory_space<semaphore_mem>> -> memref<1x!tpu.dma_semaphore, #tpu.memory_space<semaphore_mem>>
      %dma_start3A_89 = tpu.memref_squeeze %dma_start3A_88 : memref<1x!tpu.dma_semaphore, #tpu.memory_space<semaphore_mem>> -> memref<!tpu.dma_semaphore, #tpu.memory_space<semaphore_mem>>
      tpu.enqueue_indirect_dma source(%dma_start3A_87 : memref<30522x768xf32, #tpu.memory_space<hbm>>) target(%dma_start3A_83 : memref<16x768xf32, #tpu.memory_space<vmem>>) offsets(%dma_start3A_84 : memref<16xi32, #tpu.memory_space<vmem>>) semaphore(%dma_start3A_89 : memref<!tpu.dma_semaphore, #tpu.memory_space<semaphore_mem>>)
    } else {
    }
    %gt3A_42 = arith.constant 4 : i32
    %gt3A_43 = arith.cmpi sgt, %shift_right_logical3A_24, %gt3A_42 : i32
    %convert_element_type3A_44 = arith.extui %gt3A_43 : i1 to i32
    %cond3A_45 = arith.constant 0 : i32
    %cond3A_46 = arith.cmpi ne, %convert_element_type3A_44, %cond3A_45 : i32
    scf.if %cond3A_46 {
      %shift_right_logical3A_76 = arith.constant 64 : i32
      %shift_right_logical3A_77 = arith.constant 4 : i32
      %shift_right_logical3A_78 = arith.shrui %shift_right_logical3A_76, %shift_right_logical3A_77 : i32
      %multiple_of3A_79 = arith.constant 64 : i32
      %multiple_of3A_80 = tpu.assume_multiple %multiple_of3A_79, 8 : i32
      %multiple_of3A_81 = arith.constant 64 : i32
      %multiple_of3A_82 = tpu.assume_multiple %multiple_of3A_81, 8 : i32
      %dma_start3A = arith.constant 0 : i32
      %dma_start3A_83 = tpu.memref_slice %arg9[%multiple_of3A_82, %dma_start3A] : memref<128x768xf32, #tpu.memory_space<vmem>> -> memref<16x768xf32, #tpu.memory_space<vmem>>
      %dma_start3A_84 = tpu.memref_slice %arg8[%multiple_of3A_80] : memref<6432xi32, #tpu.memory_space<vmem>> -> memref<16xi32, #tpu.memory_space<vmem>>
      %dma_start3A_85 = arith.constant 0 : i32
      %dma_start3A_86 = arith.constant 0 : i32
      %dma_start3A_87 = tpu.memref_slice %arg4[%dma_start3A_85, %dma_start3A_86] : memref<30522x768xf32, #tpu.memory_space<hbm>> -> memref<30522x768xf32, #tpu.memory_space<hbm>>
      %dma_start3A_88 = tpu.memref_slice %arg11[%shift_right_logical3A_78] : memref<8x!tpu.dma_semaphore, #tpu.memory_space<semaphore_mem>> -> memref<1x!tpu.dma_semaphore, #tpu.memory_space<semaphore_mem>>
      %dma_start3A_89 = tpu.memref_squeeze %dma_start3A_88 : memref<1x!tpu.dma_semaphore, #tpu.memory_space<semaphore_mem>> -> memref<!tpu.dma_semaphore, #tpu.memory_space<semaphore_mem>>
      tpu.enqueue_indirect_dma source(%dma_start3A_87 : memref<30522x768xf32, #tpu.memory_space<hbm>>) target(%dma_start3A_83 : memref<16x768xf32, #tpu.memory_space<vmem>>) offsets(%dma_start3A_84 : memref<16xi32, #tpu.memory_space<vmem>>) semaphore(%dma_start3A_89 : memref<!tpu.dma_semaphore, #tpu.memory_space<semaphore_mem>>)
    } else {
    }
    %gt3A_47 = arith.constant 5 : i32
    %gt3A_48 = arith.cmpi sgt, %shift_right_logical3A_24, %gt3A_47 : i32
    %convert_element_type3A_49 = arith.extui %gt3A_48 : i1 to i32
    %cond3A_50 = arith.constant 0 : i32
    %cond3A_51 = arith.cmpi ne, %convert_element_type3A_49, %cond3A_50 : i32
    scf.if %cond3A_51 {
      %shift_right_logical3A_76 = arith.constant 80 : i32
      %shift_right_logical3A_77 = arith.constant 4 : i32
      %shift_right_logical3A_78 = arith.shrui %shift_right_logical3A_76, %shift_right_logical3A_77 : i32
      %multiple_of3A_79 = arith.constant 80 : i32
      %multiple_of3A_80 = tpu.assume_multiple %multiple_of3A_79, 8 : i32
      %multiple_of3A_81 = arith.constant 80 : i32
      %multiple_of3A_82 = tpu.assume_multiple %multiple_of3A_81, 8 : i32
      %dma_start3A = arith.constant 0 : i32
      %dma_start3A_83 = tpu.memref_slice %arg9[%multiple_of3A_82, %dma_start3A] : memref<128x768xf32, #tpu.memory_space<vmem>> -> memref<16x768xf32, #tpu.memory_space<vmem>>
      %dma_start3A_84 = tpu.memref_slice %arg8[%multiple_of3A_80] : memref<6432xi32, #tpu.memory_space<vmem>> -> memref<16xi32, #tpu.memory_space<vmem>>
      %dma_start3A_85 = arith.constant 0 : i32
      %dma_start3A_86 = arith.constant 0 : i32
      %dma_start3A_87 = tpu.memref_slice %arg4[%dma_start3A_85, %dma_start3A_86] : memref<30522x768xf32, #tpu.memory_space<hbm>> -> memref<30522x768xf32, #tpu.memory_space<hbm>>
      %dma_start3A_88 = tpu.memref_slice %arg11[%shift_right_logical3A_78] : memref<8x!tpu.dma_semaphore, #tpu.memory_space<semaphore_mem>> -> memref<1x!tpu.dma_semaphore, #tpu.memory_space<semaphore_mem>>
      %dma_start3A_89 = tpu.memref_squeeze %dma_start3A_88 : memref<1x!tpu.dma_semaphore, #tpu.memory_space<semaphore_mem>> -> memref<!tpu.dma_semaphore, #tpu.memory_space<semaphore_mem>>
      tpu.enqueue_indirect_dma source(%dma_start3A_87 : memref<30522x768xf32, #tpu.memory_space<hbm>>) target(%dma_start3A_83 : memref<16x768xf32, #tpu.memory_space<vmem>>) offsets(%dma_start3A_84 : memref<16xi32, #tpu.memory_space<vmem>>) semaphore(%dma_start3A_89 : memref<!tpu.dma_semaphore, #tpu.memory_space<semaphore_mem>>)
    } else {
    }
    %gt3A_52 = arith.constant 6 : i32
    %gt3A_53 = arith.cmpi sgt, %shift_right_logical3A_24, %gt3A_52 : i32
    %convert_element_type3A_54 = arith.extui %gt3A_53 : i1 to i32
    %cond3A_55 = arith.constant 0 : i32
    %cond3A_56 = arith.cmpi ne, %convert_element_type3A_54, %cond3A_55 : i32
    scf.if %cond3A_56 {
      %shift_right_logical3A_76 = arith.constant 96 : i32
      %shift_right_logical3A_77 = arith.constant 4 : i32
      %shift_right_logical3A_78 = arith.shrui %shift_right_logical3A_76, %shift_right_logical3A_77 : i32
      %multiple_of3A_79 = arith.constant 96 : i32
      %multiple_of3A_80 = tpu.assume_multiple %multiple_of3A_79, 8 : i32
      %multiple_of3A_81 = arith.constant 96 : i32
      %multiple_of3A_82 = tpu.assume_multiple %multiple_of3A_81, 8 : i32
      %dma_start3A = arith.constant 0 : i32
      %dma_start3A_83 = tpu.memref_slice %arg9[%multiple_of3A_82, %dma_start3A] : memref<128x768xf32, #tpu.memory_space<vmem>> -> memref<16x768xf32, #tpu.memory_space<vmem>>
      %dma_start3A_84 = tpu.memref_slice %arg8[%multiple_of3A_80] : memref<6432xi32, #tpu.memory_space<vmem>> -> memref<16xi32, #tpu.memory_space<vmem>>
      %dma_start3A_85 = arith.constant 0 : i32
      %dma_start3A_86 = arith.constant 0 : i32
      %dma_start3A_87 = tpu.memref_slice %arg4[%dma_start3A_85, %dma_start3A_86] : memref<30522x768xf32, #tpu.memory_space<hbm>> -> memref<30522x768xf32, #tpu.memory_space<hbm>>
      %dma_start3A_88 = tpu.memref_slice %arg11[%shift_right_logical3A_78] : memref<8x!tpu.dma_semaphore, #tpu.memory_space<semaphore_mem>> -> memref<1x!tpu.dma_semaphore, #tpu.memory_space<semaphore_mem>>
      %dma_start3A_89 = tpu.memref_squeeze %dma_start3A_88 : memref<1x!tpu.dma_semaphore, #tpu.memory_space<semaphore_mem>> -> memref<!tpu.dma_semaphore, #tpu.memory_space<semaphore_mem>>
      tpu.enqueue_indirect_dma source(%dma_start3A_87 : memref<30522x768xf32, #tpu.memory_space<hbm>>) target(%dma_start3A_83 : memref<16x768xf32, #tpu.memory_space<vmem>>) offsets(%dma_start3A_84 : memref<16xi32, #tpu.memory_space<vmem>>) semaphore(%dma_start3A_89 : memref<!tpu.dma_semaphore, #tpu.memory_space<semaphore_mem>>)
    } else {
    }
    %gt3A_57 = arith.constant 7 : i32
    %gt3A_58 = arith.cmpi sgt, %shift_right_logical3A_24, %gt3A_57 : i32
    %convert_element_type3A_59 = arith.extui %gt3A_58 : i1 to i32
    %cond3A_60 = arith.constant 0 : i32
    %cond3A_61 = arith.cmpi ne, %convert_element_type3A_59, %cond3A_60 : i32
    scf.if %cond3A_61 {
      %shift_right_logical3A_76 = arith.constant 112 : i32
      %shift_right_logical3A_77 = arith.constant 4 : i32
      %shift_right_logical3A_78 = arith.shrui %shift_right_logical3A_76, %shift_right_logical3A_77 : i32
      %multiple_of3A_79 = arith.constant 112 : i32
      %multiple_of3A_80 = tpu.assume_multiple %multiple_of3A_79, 8 : i32
      %multiple_of3A_81 = arith.constant 112 : i32
      %multiple_of3A_82 = tpu.assume_multiple %multiple_of3A_81, 8 : i32
      %dma_start3A = arith.constant 0 : i32
      %dma_start3A_83 = tpu.memref_slice %arg9[%multiple_of3A_82, %dma_start3A] : memref<128x768xf32, #tpu.memory_space<vmem>> -> memref<16x768xf32, #tpu.memory_space<vmem>>
      %dma_start3A_84 = tpu.memref_slice %arg8[%multiple_of3A_80] : memref<6432xi32, #tpu.memory_space<vmem>> -> memref<16xi32, #tpu.memory_space<vmem>>
      %dma_start3A_85 = arith.constant 0 : i32
      %dma_start3A_86 = arith.constant 0 : i32
      %dma_start3A_87 = tpu.memref_slice %arg4[%dma_start3A_85, %dma_start3A_86] : memref<30522x768xf32, #tpu.memory_space<hbm>> -> memref<30522x768xf32, #tpu.memory_space<hbm>>
      %dma_start3A_88 = tpu.memref_slice %arg11[%shift_right_logical3A_78] : memref<8x!tpu.dma_semaphore, #tpu.memory_space<semaphore_mem>> -> memref<1x!tpu.dma_semaphore, #tpu.memory_space<semaphore_mem>>
      %dma_start3A_89 = tpu.memref_squeeze %dma_start3A_88 : memref<1x!tpu.dma_semaphore, #tpu.memory_space<semaphore_mem>> -> memref<!tpu.dma_semaphore, #tpu.memory_space<semaphore_mem>>
      tpu.enqueue_indirect_dma source(%dma_start3A_87 : memref<30522x768xf32, #tpu.memory_space<hbm>>) target(%dma_start3A_83 : memref<16x768xf32, #tpu.memory_space<vmem>>) offsets(%dma_start3A_84 : memref<16xi32, #tpu.memory_space<vmem>>) semaphore(%dma_start3A_89 : memref<!tpu.dma_semaphore, #tpu.memory_space<semaphore_mem>>)
    } else {
    }
    %min3A = arith.constant 8 : i32
    %min3A_62 = arith.minsi %shift_right_logical3A_24, %min3A : i32
    %scan3A_63 = arith.constant 0 : i32
    %scan3A_64 = arith.constant 0 : i32
    %scan3A_65 = arith.constant 0 : i32
    %scan3A_66 = arith.constant 128 : i32
    %scan3A_67 = arith.addi %scan3A_65, %scan3A_66 : i32
    %scan3A_68 = arith.constant 1 : i32
    %scan3A_69:3 = scf.for %scan3A_76 = %scan3A_65 to %scan3A_67 step %scan3A_68 iter_args(%scan3A_77 = %scan3A_63, %scan3A_78 = %scan3A_64, %scan3A_79 = %min3A_62) -> (i32, i32, i32)  : i32 {
      %get3A = arith.index_cast %scan3A_76 : i32 to index
      %get3A_80 = tpu.vector_load %arg7[%get3A] {strides = array<i32>} : memref<144xi32, #tpu.memory_space<vmem>>, vector<16xi32>,
      %get3A_81 = vector.shape_cast %get3A_80 : vector<16xi32> to vector<16xi32>
      %slice3A = vector.extract_strided_slice %get3A_81 {offsets = [0], sizes = [1], strides = [1]} : vector<16xi32> to vector<1xi32>
      %squeeze3A = vector.extract %slice3A[0] : i32 from vector<1xi32>
      %and3A = arith.constant 7 : i32
      %and3A_82 = arith.andi %scan3A_76, %and3A : i32
      %eq3A = arith.constant 0 : i32
      %eq3A_83 = arith.cmpi eq, %and3A_82, %eq3A : i32
      %gt3A_84 = arith.constant 0 : i32
      %gt3A_85 = arith.cmpi sgt, %scan3A_76, %gt3A_84 : i32
      %and3A_86 = arith.andi %eq3A_83, %gt3A_85 : i1
      %convert_element_type3A_87 = arith.extui %and3A_86 : i1 to i32
      %cond3A_88 = arith.constant 0 : i32
      %cond3A_89 = arith.cmpi ne, %convert_element_type3A_87, %cond3A_88 : i32
      scf.if %cond3A_89 {
        %dma_wait3A_477 = arith.constant 0 : i32
        %dma_wait3A_478 = arith.constant 0 : i32
        %dma_wait3A_479 = tpu.memref_slice %arg5[%dma_wait3A_477, %dma_wait3A_478] : memref<4096x768xf32, #tpu.memory_space<hbm>> -> memref<8x768xf32, #tpu.memory_space<hbm>>
        %dma_wait3A_480 = arith.constant 0 : i32
        %dma_wait3A_481 = arith.constant 0 : i32
        %dma_wait3A_482 = tpu.memref_slice %arg5[%dma_wait3A_480, %dma_wait3A_481] : memref<4096x768xf32, #tpu.memory_space<hbm>> -> memref<8x768xf32, #tpu.memory_space<hbm>>
        tpu.wait_dma2 semaphore(%arg12 : memref<!tpu.dma_semaphore, #tpu.memory_space<semaphore_mem>>) src(%arg10 : memref<8x768xf32, #tpu.memory_space<vmem>>) dst(%dma_wait3A_482 : memref<8x768xf32, #tpu.memory_space<hbm>>)
      } else {
      }
      %add3A_90 = arith.addi %scan3A_77, %squeeze3A : i32
      %add3A_91 = arith.constant 16 : i32
      %add3A_92 = arith.addi %add3A_90, %add3A_91 : i32
      %sub3A_93 = arith.constant 1 : i32
      %sub3A_94 = arith.subi %add3A_92, %sub3A_93 : i32
      %shift_right_logical3A_95 = arith.constant 4 : i32
      %shift_right_logical3A_96 = arith.shrui %sub3A_94, %shift_right_logical3A_95 : i32
      %min3A_97 = arith.minsi %shift_right_logical3A_96, %shift_right_logical3A_24 : i32
      %sub3A_98 = arith.subi %min3A_97, %scan3A_78 : i32
      %gt3A_99 = arith.constant 0 : i32
      %gt3A_100 = arith.cmpi sgt, %sub3A_98, %gt3A_99 : i32
      %convert_element_type3A_101 = arith.extui %gt3A_100 : i1 to i32
      %cond3A_102 = arith.constant 0 : i32
      %cond3A_103 = arith.cmpi ne, %convert_element_type3A_101, %cond3A_102 : i32
      scf.if %cond3A_103 {
        %add3A_477 = arith.constant 0 : i32
        %add3A_478 = arith.addi %scan3A_78, %add3A_477 : i32
        %and3A_479 = arith.constant 7 : i32
        %and3A_480 = arith.andi %add3A_478, %and3A_479 : i32
        %dma_wait3A_481 = arith.constant 0 : i32
        %dma_wait3A_482 = arith.constant 0 : i32
        %dma_wait3A_483 = tpu.memref_slice %arg9[%dma_wait3A_481, %dma_wait3A_482] : memref<128x768xf32, #tpu.memory_space<vmem>> -> memref<16x768xf32, #tpu.memory_space<vmem>>
        %dma_wait3A_484 = arith.constant 0 : i32
        %dma_wait3A_485 = arith.constant 0 : i32
        %dma_wait3A_486 = tpu.memref_slice %arg4[%dma_wait3A_484, %dma_wait3A_485] : memref<30522x768xf32, #tpu.memory_space<hbm>> -> memref<16x768xf32, #tpu.memory_space<hbm>>
        %dma_wait3A_487 = tpu.memref_slice %arg11[%and3A_480] : memref<8x!tpu.dma_semaphore, #tpu.memory_space<semaphore_mem>> -> memref<1x!tpu.dma_semaphore, #tpu.memory_space<semaphore_mem>>
        %dma_wait3A_488 = tpu.memref_squeeze %dma_wait3A_487 : memref<1x!tpu.dma_semaphore, #tpu.memory_space<semaphore_mem>> -> memref<!tpu.dma_semaphore, #tpu.memory_space<semaphore_mem>>
        %dma_wait3A_489 = arith.constant 0 : i32
        %dma_wait3A_490 = arith.constant 0 : i32
        %dma_wait3A_491 = tpu.memref_slice %arg9[%dma_wait3A_489, %dma_wait3A_490] : memref<128x768xf32, #tpu.memory_space<vmem>> -> memref<16x768xf32, #tpu.memory_space<vmem>>
        %dma_wait3A_492 = arith.constant 0 : i32
        %dma_wait3A_493 = arith.constant 0 : i32
        %dma_wait3A_494 = tpu.memref_slice %arg4[%dma_wait3A_492, %dma_wait3A_493] : memref<30522x768xf32, #tpu.memory_space<hbm>> -> memref<16x768xf32, #tpu.memory_space<hbm>>
        tpu.wait_dma2 semaphore(%dma_wait3A_488 : memref<!tpu.dma_semaphore, #tpu.memory_space<semaphore_mem>>) src(%dma_wait3A_494 : memref<16x768xf32, #tpu.memory_space<hbm>>) dst(%dma_wait3A_491 : memref<16x768xf32, #tpu.memory_space<vmem>>)
      } else {
      }
      %sub3A_104 = arith.subi %min3A_97, %scan3A_78 : i32
      %gt3A_105 = arith.constant 1 : i32
      %gt3A_106 = arith.cmpi sgt, %sub3A_104, %gt3A_105 : i32
      %convert_element_type3A_107 = arith.extui %gt3A_106 : i1 to i32
      %cond3A_108 = arith.constant 0 : i32
      %cond3A_109 = arith.cmpi ne, %convert_element_type3A_107, %cond3A_108 : i32
      scf.if %cond3A_109 {
        %add3A_477 = arith.constant 1 : i32
        %add3A_478 = arith.addi %scan3A_78, %add3A_477 : i32
        %and3A_479 = arith.constant 7 : i32
        %and3A_480 = arith.andi %add3A_478, %and3A_479 : i32
        %dma_wait3A_481 = arith.constant 0 : i32
        %dma_wait3A_482 = arith.constant 0 : i32
        %dma_wait3A_483 = tpu.memref_slice %arg9[%dma_wait3A_481, %dma_wait3A_482] : memref<128x768xf32, #tpu.memory_space<vmem>> -> memref<16x768xf32, #tpu.memory_space<vmem>>
        %dma_wait3A_484 = arith.constant 0 : i32
        %dma_wait3A_485 = arith.constant 0 : i32
        %dma_wait3A_486 = tpu.memref_slice %arg4[%dma_wait3A_484, %dma_wait3A_485] : memref<30522x768xf32, #tpu.memory_space<hbm>> -> memref<16x768xf32, #tpu.memory_space<hbm>>
        %dma_wait3A_487 = tpu.memref_slice %arg11[%and3A_480] : memref<8x!tpu.dma_semaphore, #tpu.memory_space<semaphore_mem>> -> memref<1x!tpu.dma_semaphore, #tpu.memory_space<semaphore_mem>>
        %dma_wait3A_488 = tpu.memref_squeeze %dma_wait3A_487 : memref<1x!tpu.dma_semaphore, #tpu.memory_space<semaphore_mem>> -> memref<!tpu.dma_semaphore, #tpu.memory_space<semaphore_mem>>
        %dma_wait3A_489 = arith.constant 0 : i32
        %dma_wait3A_490 = arith.constant 0 : i32
        %dma_wait3A_491 = tpu.memref_slice %arg9[%dma_wait3A_489, %dma_wait3A_490] : memref<128x768xf32, #tpu.memory_space<vmem>> -> memref<16x768xf32, #tpu.memory_space<vmem>>
        %dma_wait3A_492 = arith.constant 0 : i32
        %dma_wait3A_493 = arith.constant 0 : i32
        %dma_wait3A_494 = tpu.memref_slice %arg4[%dma_wait3A_492, %dma_wait3A_493] : memref<30522x768xf32, #tpu.memory_space<hbm>> -> memref<16x768xf32, #tpu.memory_space<hbm>>
        tpu.wait_dma2 semaphore(%dma_wait3A_488 : memref<!tpu.dma_semaphore, #tpu.memory_space<semaphore_mem>>) src(%dma_wait3A_494 : memref<16x768xf32, #tpu.memory_space<hbm>>) dst(%dma_wait3A_491 : memref<16x768xf32, #tpu.memory_space<vmem>>)
      } else {
      }
      %sub3A_110 = arith.subi %min3A_97, %scan3A_78 : i32
      %gt3A_111 = arith.constant 2 : i32
      %gt3A_112 = arith.cmpi sgt, %sub3A_110, %gt3A_111 : i32
      %convert_element_type3A_113 = arith.extui %gt3A_112 : i1 to i32
      %cond3A_114 = arith.constant 0 : i32
      %cond3A_115 = arith.cmpi ne, %convert_element_type3A_113, %cond3A_114 : i32
      scf.if %cond3A_115 {
        %add3A_477 = arith.constant 2 : i32
        %add3A_478 = arith.addi %scan3A_78, %add3A_477 : i32
        %and3A_479 = arith.constant 7 : i32
        %and3A_480 = arith.andi %add3A_478, %and3A_479 : i32
        %dma_wait3A_481 = arith.constant 0 : i32
        %dma_wait3A_482 = arith.constant 0 : i32
        %dma_wait3A_483 = tpu.memref_slice %arg9[%dma_wait3A_481, %dma_wait3A_482] : memref<128x768xf32, #tpu.memory_space<vmem>> -> memref<16x768xf32, #tpu.memory_space<vmem>>
        %dma_wait3A_484 = arith.constant 0 : i32
        %dma_wait3A_485 = arith.constant 0 : i32
        %dma_wait3A_486 = tpu.memref_slice %arg4[%dma_wait3A_484, %dma_wait3A_485] : memref<30522x768xf32, #tpu.memory_space<hbm>> -> memref<16x768xf32, #tpu.memory_space<hbm>>
        %dma_wait3A_487 = tpu.memref_slice %arg11[%and3A_480] : memref<8x!tpu.dma_semaphore, #tpu.memory_space<semaphore_mem>> -> memref<1x!tpu.dma_semaphore, #tpu.memory_space<semaphore_mem>>
        %dma_wait3A_488 = tpu.memref_squeeze %dma_wait3A_487 : memref<1x!tpu.dma_semaphore, #tpu.memory_space<semaphore_mem>> -> memref<!tpu.dma_semaphore, #tpu.memory_space<semaphore_mem>>
        %dma_wait3A_489 = arith.constant 0 : i32
        %dma_wait3A_490 = arith.constant 0 : i32
        %dma_wait3A_491 = tpu.memref_slice %arg9[%dma_wait3A_489, %dma_wait3A_490] : memref<128x768xf32, #tpu.memory_space<vmem>> -> memref<16x768xf32, #tpu.memory_space<vmem>>
        %dma_wait3A_492 = arith.constant 0 : i32
        %dma_wait3A_493 = arith.constant 0 : i32
        %dma_wait3A_494 = tpu.memref_slice %arg4[%dma_wait3A_492, %dma_wait3A_493] : memref<30522x768xf32, #tpu.memory_space<hbm>> -> memref<16x768xf32, #tpu.memory_space<hbm>>
        tpu.wait_dma2 semaphore(%dma_wait3A_488 : memref<!tpu.dma_semaphore, #tpu.memory_space<semaphore_mem>>) src(%dma_wait3A_494 : memref<16x768xf32, #tpu.memory_space<hbm>>) dst(%dma_wait3A_491 : memref<16x768xf32, #tpu.memory_space<vmem>>)
      } else {
      }
      %sub3A_116 = arith.subi %min3A_97, %scan3A_78 : i32
      %gt3A_117 = arith.constant 3 : i32
      %gt3A_118 = arith.cmpi sgt, %sub3A_116, %gt3A_117 : i32
      %convert_element_type3A_119 = arith.extui %gt3A_118 : i1 to i32
      %cond3A_120 = arith.constant 0 : i32
      %cond3A_121 = arith.cmpi ne, %convert_element_type3A_119, %cond3A_120 : i32
      scf.if %cond3A_121 {
        %add3A_477 = arith.constant 3 : i32
        %add3A_478 = arith.addi %scan3A_78, %add3A_477 : i32
        %and3A_479 = arith.constant 7 : i32
        %and3A_480 = arith.andi %add3A_478, %and3A_479 : i32
        %dma_wait3A_481 = arith.constant 0 : i32
        %dma_wait3A_482 = arith.constant 0 : i32
        %dma_wait3A_483 = tpu.memref_slice %arg9[%dma_wait3A_481, %dma_wait3A_482] : memref<128x768xf32, #tpu.memory_space<vmem>> -> memref<16x768xf32, #tpu.memory_space<vmem>>
        %dma_wait3A_484 = arith.constant 0 : i32
        %dma_wait3A_485 = arith.constant 0 : i32
        %dma_wait3A_486 = tpu.memref_slice %arg4[%dma_wait3A_484, %dma_wait3A_485] : memref<30522x768xf32, #tpu.memory_space<hbm>> -> memref<16x768xf32, #tpu.memory_space<hbm>>
        %dma_wait3A_487 = tpu.memref_slice %arg11[%and3A_480] : memref<8x!tpu.dma_semaphore, #tpu.memory_space<semaphore_mem>> -> memref<1x!tpu.dma_semaphore, #tpu.memory_space<semaphore_mem>>
        %dma_wait3A_488 = tpu.memref_squeeze %dma_wait3A_487 : memref<1x!tpu.dma_semaphore, #tpu.memory_space<semaphore_mem>> -> memref<!tpu.dma_semaphore, #tpu.memory_space<semaphore_mem>>
        %dma_wait3A_489 = arith.constant 0 : i32
        %dma_wait3A_490 = arith.constant 0 : i32
        %dma_wait3A_491 = tpu.memref_slice %arg9[%dma_wait3A_489, %dma_wait3A_490] : memref<128x768xf32, #tpu.memory_space<vmem>> -> memref<16x768xf32, #tpu.memory_space<vmem>>
        %dma_wait3A_492 = arith.constant 0 : i32
        %dma_wait3A_493 = arith.constant 0 : i32
        %dma_wait3A_494 = tpu.memref_slice %arg4[%dma_wait3A_492, %dma_wait3A_493] : memref<30522x768xf32, #tpu.memory_space<hbm>> -> memref<16x768xf32, #tpu.memory_space<hbm>>
        tpu.wait_dma2 semaphore(%dma_wait3A_488 : memref<!tpu.dma_semaphore, #tpu.memory_space<semaphore_mem>>) src(%dma_wait3A_494 : memref<16x768xf32, #tpu.memory_space<hbm>>) dst(%dma_wait3A_491 : memref<16x768xf32, #tpu.memory_space<vmem>>)
      } else {
      }
      %sub3A_122 = arith.subi %min3A_97, %scan3A_78 : i32
      %gt3A_123 = arith.constant 4 : i32
      %gt3A_124 = arith.cmpi sgt, %sub3A_122, %gt3A_123 : i32
      %convert_element_type3A_125 = arith.extui %gt3A_124 : i1 to i32
      %cond3A_126 = arith.constant 0 : i32
      %cond3A_127 = arith.cmpi ne, %convert_element_type3A_125, %cond3A_126 : i32
      scf.if %cond3A_127 {
        %add3A_477 = arith.constant 4 : i32
        %add3A_478 = arith.addi %scan3A_78, %add3A_477 : i32
        %and3A_479 = arith.constant 7 : i32
        %and3A_480 = arith.andi %add3A_478, %and3A_479 : i32
        %dma_wait3A_481 = arith.constant 0 : i32
        %dma_wait3A_482 = arith.constant 0 : i32
        %dma_wait3A_483 = tpu.memref_slice %arg9[%dma_wait3A_481, %dma_wait3A_482] : memref<128x768xf32, #tpu.memory_space<vmem>> -> memref<16x768xf32, #tpu.memory_space<vmem>>
        %dma_wait3A_484 = arith.constant 0 : i32
        %dma_wait3A_485 = arith.constant 0 : i32
        %dma_wait3A_486 = tpu.memref_slice %arg4[%dma_wait3A_484, %dma_wait3A_485] : memref<30522x768xf32, #tpu.memory_space<hbm>> -> memref<16x768xf32, #tpu.memory_space<hbm>>
        %dma_wait3A_487 = tpu.memref_slice %arg11[%and3A_480] : memref<8x!tpu.dma_semaphore, #tpu.memory_space<semaphore_mem>> -> memref<1x!tpu.dma_semaphore, #tpu.memory_space<semaphore_mem>>
        %dma_wait3A_488 = tpu.memref_squeeze %dma_wait3A_487 : memref<1x!tpu.dma_semaphore, #tpu.memory_space<semaphore_mem>> -> memref<!tpu.dma_semaphore, #tpu.memory_space<semaphore_mem>>
        %dma_wait3A_489 = arith.constant 0 : i32
        %dma_wait3A_490 = arith.constant 0 : i32
        %dma_wait3A_491 = tpu.memref_slice %arg9[%dma_wait3A_489, %dma_wait3A_490] : memref<128x768xf32, #tpu.memory_space<vmem>> -> memref<16x768xf32, #tpu.memory_space<vmem>>
        %dma_wait3A_492 = arith.constant 0 : i32
        %dma_wait3A_493 = arith.constant 0 : i32
        %dma_wait3A_494 = tpu.memref_slice %arg4[%dma_wait3A_492, %dma_wait3A_493] : memref<30522x768xf32, #tpu.memory_space<hbm>> -> memref<16x768xf32, #tpu.memory_space<hbm>>
        tpu.wait_dma2 semaphore(%dma_wait3A_488 : memref<!tpu.dma_semaphore, #tpu.memory_space<semaphore_mem>>) src(%dma_wait3A_494 : memref<16x768xf32, #tpu.memory_space<hbm>>) dst(%dma_wait3A_491 : memref<16x768xf32, #tpu.memory_space<vmem>>)
      } else {
      }
      %max3A = arith.maxsi %scan3A_78, %min3A_97 : i32
      %and3A_128 = arith.constant 127 : i32
      %and3A_129 = arith.andi %scan3A_77, %and3A_128 : i32
      %while3A = arith.constant 0 : i32
      %while3A_130 = arith.subi %squeeze3A, %while3A : i32
      %while3A_131 = arith.addi %while3A, %while3A_130 : i32
      %while3A_132 = arith.constant 1 : i32
      %while3A_133 = arith.divsi %while3A_130, %while3A_132 : i32
      %while3A_134 = arith.muli %while3A_133, %while3A_132 : i32
      %while3A_135 = arith.addi %while3A, %while3A_134 : i32
      %while3A_136 = arith.constant 1 : i32
      %while3A_137:49 = scf.for %while3A_477 = %while3A to %while3A_135 step %while3A_136 iter_args(%while3A_478 = %and3A_129, %while3A_479 = %broadcast_in_dim3A_3, %while3A_480 = %broadcast_in_dim3A_3, %while3A_481 = %broadcast_in_dim3A_3, %while3A_482 = %broadcast_in_dim3A_3, %while3A_483 = %broadcast_in_dim3A_3, %while3A_484 = %broadcast_in_dim3A_3, %while3A_485 = %broadcast_in_dim3A_3, %while3A_486 = %broadcast_in_dim3A_3, %while3A_487 = %broadcast_in_dim3A_3, %while3A_488 = %broadcast_in_dim3A_3, %while3A_489 = %broadcast_in_dim3A_3, %while3A_490 = %broadcast_in_dim3A_3, %while3A_491 = %broadcast_in_dim3A_3, %while3A_492 = %broadcast_in_dim3A_3, %while3A_493 = %broadcast_in_dim3A_3, %while3A_494 = %broadcast_in_dim3A_3, %while3A_495 = %broadcast_in_dim3A_3, %while3A_496 = %broadcast_in_dim3A_3, %while3A_497 = %broadcast_in_dim3A_3, %while3A_498 = %broadcast_in_dim3A_3, %while3A_499 = %broadcast_in_dim3A_3, %while3A_500 = %broadcast_in_dim3A_3, %while3A_501 = %broadcast_in_dim3A_3, %while3A_502 = %broadcast_in_dim3A_3, %while3A_503 = %broadcast_in_dim3A_3, %while3A_504 = %broadcast_in_dim3A_3, %while3A_505 = %broadcast_in_dim3A_3, %while3A_506 = %broadcast_in_dim3A_3, %while3A_507 = %broadcast_in_dim3A_3, %while3A_508 = %broadcast_in_dim3A_3, %while3A_509 = %broadcast_in_dim3A_3, %while3A_510 = %broadcast_in_dim3A_3, %while3A_511 = %broadcast_in_dim3A_3, %while3A_512 = %broadcast_in_dim3A_3, %while3A_513 = %broadcast_in_dim3A_3, %while3A_514 = %broadcast_in_dim3A_3, %while3A_515 = %broadcast_in_dim3A_3, %while3A_516 = %broadcast_in_dim3A_3, %while3A_517 = %broadcast_in_dim3A_3, %while3A_518 = %broadcast_in_dim3A_3, %while3A_519 = %broadcast_in_dim3A_3, %while3A_520 = %broadcast_in_dim3A_3, %while3A_521 = %broadcast_in_dim3A_3, %while3A_522 = %broadcast_in_dim3A_3, %while3A_523 = %broadcast_in_dim3A_3, %while3A_524 = %broadcast_in_dim3A_3, %while3A_525 = %broadcast_in_dim3A_3, %while3A_526 = %broadcast_in_dim3A_3) -> (i32, vector<16xf32>, vector<16xf32>, vector<16xf32>, vector<16xf32>, vector<16xf32>, vector<16xf32>, vector<16xf32>, vector<16xf32>, vector<16xf32>, vector<16xf32>, vector<16xf32>, vector<16xf32>, vector<16xf32>, vector<16xf32>, vector<16xf32>, vector<16xf32>, vector<16xf32>, vector<16xf32>, vector<16xf32>, vector<16xf32>, vector<16xf32>, vector<16xf32>, vector<16xf32>, vector<16xf32>, vector<16xf32>, vector<16xf32>, vector<16xf32>, vector<16xf32>, vector<16xf32>, vector<16xf32>, vector<16xf32>, vector<16xf32>, vector<16xf32>, vector<16xf32>, vector<16xf32>, vector<16xf32>, vector<16xf32>, vector<16xf32>, vector<16xf32>, vector<16xf32>, vector<16xf32>, vector<16xf32>, vector<16xf32>, vector<16xf32>, vector<16xf32>, vector<16xf32>, vector<16xf32>, vector<16xf32>)  : i32 {
        %get3A_527 = arith.index_cast %while3A_478 : i32 to index
        %get3A_528 = arith.constant 0 : index
        %get3A_529 = tpu.vector_load %arg9[%get3A_527, %get3A_528] {strides = array<i32>} : memref<128x768xf32, #tpu.memory_space<vmem>>, vector<1x16xf32>,
        %get3A_530 = vector.shape_cast %get3A_529 : vector<1x16xf32> to vector<16xf32>
        %add3A_531 = arith.addf %while3A_479, %get3A_530 : vector<16xf32>
        %get3A_532 = arith.index_cast %while3A_478 : i32 to index
        %get3A_533 = arith.constant 16 : index
        %get3A_534 = tpu.vector_load %arg9[%get3A_532, %get3A_533] {strides = array<i32>} : memref<128x768xf32, #tpu.memory_space<vmem>>, vector<1x16xf32>,
        %get3A_535 = vector.shape_cast %get3A_534 : vector<1x16xf32> to vector<16xf32>
        %add3A_536 = arith.addf %while3A_480, %get3A_535 : vector<16xf32>
        %get3A_537 = arith.index_cast %while3A_478 : i32 to index
        %get3A_538 = arith.constant 32 : index
        %get3A_539 = tpu.vector_load %arg9[%get3A_537, %get3A_538] {strides = array<i32>} : memref<128x768xf32, #tpu.memory_space<vmem>>, vector<1x16xf32>,
        %get3A_540 = vector.shape_cast %get3A_539 : vector<1x16xf32> to vector<16xf32>
        %add3A_541 = arith.addf %while3A_481, %get3A_540 : vector<16xf32>
        %get3A_542 = arith.index_cast %while3A_478 : i32 to index
        %get3A_543 = arith.constant 48 : index
        %get3A_544 = tpu.vector_load %arg9[%get3A_542, %get3A_543] {strides = array<i32>} : memref<128x768xf32, #tpu.memory_space<vmem>>, vector<1x16xf32>,
        %get3A_545 = vector.shape_cast %get3A_544 : vector<1x16xf32> to vector<16xf32>
        %add3A_546 = arith.addf %while3A_482, %get3A_545 : vector<16xf32>
        %get3A_547 = arith.index_cast %while3A_478 : i32 to index
        %get3A_548 = arith.constant 64 : index
        %get3A_549 = tpu.vector_load %arg9[%get3A_547, %get3A_548] {strides = array<i32>} : memref<128x768xf32, #tpu.memory_space<vmem>>, vector<1x16xf32>,
        %get3A_550 = vector.shape_cast %get3A_549 : vector<1x16xf32> to vector<16xf32>
        %add3A_551 = arith.addf %while3A_483, %get3A_550 : vector<16xf32>
        %get3A_552 = arith.index_cast %while3A_478 : i32 to index
        %get3A_553 = arith.constant 80 : index
        %get3A_554 = tpu.vector_load %arg9[%get3A_552, %get3A_553] {strides = array<i32>} : memref<128x768xf32, #tpu.memory_space<vmem>>, vector<1x16xf32>,
        %get3A_555 = vector.shape_cast %get3A_554 : vector<1x16xf32> to vector<16xf32>
        %add3A_556 = arith.addf %while3A_484, %get3A_555 : vector<16xf32>
        %get3A_557 = arith.index_cast %while3A_478 : i32 to index
        %get3A_558 = arith.constant 96 : index
        %get3A_559 = tpu.vector_load %arg9[%get3A_557, %get3A_558] {strides = array<i32>} : memref<128x768xf32, #tpu.memory_space<vmem>>, vector<1x16xf32>,
        %get3A_560 = vector.shape_cast %get3A_559 : vector<1x16xf32> to vector<16xf32>
        %add3A_561 = arith.addf %while3A_485, %get3A_560 : vector<16xf32>
        %get3A_562 = arith.index_cast %while3A_478 : i32 to index
        %get3A_563 = arith.constant 112 : index
        %get3A_564 = tpu.vector_load %arg9[%get3A_562, %get3A_563] {strides = array<i32>} : memref<128x768xf32, #tpu.memory_space<vmem>>, vector<1x16xf32>,
        %get3A_565 = vector.shape_cast %get3A_564 : vector<1x16xf32> to vector<16xf32>
        %add3A_566 = arith.addf %while3A_486, %get3A_565 : vector<16xf32>
        %get3A_567 = arith.index_cast %while3A_478 : i32 to index
        %get3A_568 = arith.constant 128 : index
        %get3A_569 = tpu.vector_load %arg9[%get3A_567, %get3A_568] {strides = array<i32>} : memref<128x768xf32, #tpu.memory_space<vmem>>, vector<1x16xf32>,
        %get3A_570 = vector.shape_cast %get3A_569 : vector<1x16xf32> to vector<16xf32>
        %add3A_571 = arith.addf %while3A_487, %get3A_570 : vector<16xf32>
        %get3A_572 = arith.index_cast %while3A_478 : i32 to index
        %get3A_573 = arith.constant 144 : index
        %get3A_574 = tpu.vector_load %arg9[%get3A_572, %get3A_573] {strides = array<i32>} : memref<128x768xf32, #tpu.memory_space<vmem>>, vector<1x16xf32>,
        %get3A_575 = vector.shape_cast %get3A_574 : vector<1x16xf32> to vector<16xf32>
        %add3A_576 = arith.addf %while3A_488, %get3A_575 : vector<16xf32>
        %get3A_577 = arith.index_cast %while3A_478 : i32 to index
        %get3A_578 = arith.constant 160 : index
        %get3A_579 = tpu.vector_load %arg9[%get3A_577, %get3A_578] {strides = array<i32>} : memref<128x768xf32, #tpu.memory_space<vmem>>, vector<1x16xf32>,
        %get3A_580 = vector.shape_cast %get3A_579 : vector<1x16xf32> to vector<16xf32>
        %add3A_581 = arith.addf %while3A_489, %get3A_580 : vector<16xf32>
        %get3A_582 = arith.index_cast %while3A_478 : i32 to index
        %get3A_583 = arith.constant 176 : index
        %get3A_584 = tpu.vector_load %arg9[%get3A_582, %get3A_583] {strides = array<i32>} : memref<128x768xf32, #tpu.memory_space<vmem>>, vector<1x16xf32>,
        %get3A_585 = vector.shape_cast %get3A_584 : vector<1x16xf32> to vector<16xf32>
        %add3A_586 = arith.addf %while3A_490, %get3A_585 : vector<16xf32>
        %get3A_587 = arith.index_cast %while3A_478 : i32 to index
        %get3A_588 = arith.constant 192 : index
        %get3A_589 = tpu.vector_load %arg9[%get3A_587, %get3A_588] {strides = array<i32>} : memref<128x768xf32, #tpu.memory_space<vmem>>, vector<1x16xf32>,
        %get3A_590 = vector.shape_cast %get3A_589 : vector<1x16xf32> to vector<16xf32>
        %add3A_591 = arith.addf %while3A_491, %get3A_590 : vector<16xf32>
        %get3A_592 = arith.index_cast %while3A_478 : i32 to index
        %get3A_593 = arith.constant 208 : index
        %get3A_594 = tpu.vector_load %arg9[%get3A_592, %get3A_593] {strides = array<i32>} : memref<128x768xf32, #tpu.memory_space<vmem>>, vector<1x16xf32>,
        %get3A_595 = vector.shape_cast %get3A_594 : vector<1x16xf32> to vector<16xf32>
        %add3A_596 = arith.addf %while3A_492, %get3A_595 : vector<16xf32>
        %get3A_597 = arith.index_cast %while3A_478 : i32 to index
        %get3A_598 = arith.constant 224 : index
        %get3A_599 = tpu.vector_load %arg9[%get3A_597, %get3A_598] {strides = array<i32>} : memref<128x768xf32, #tpu.memory_space<vmem>>, vector<1x16xf32>,
        %get3A_600 = vector.shape_cast %get3A_599 : vector<1x16xf32> to vector<16xf32>
        %add3A_601 = arith.addf %while3A_493, %get3A_600 : vector<16xf32>
        %get3A_602 = arith.index_cast %while3A_478 : i32 to index
        %get3A_603 = arith.constant 240 : index
        %get3A_604 = tpu.vector_load %arg9[%get3A_602, %get3A_603] {strides = array<i32>} : memref<128x768xf32, #tpu.memory_space<vmem>>, vector<1x16xf32>,
        %get3A_605 = vector.shape_cast %get3A_604 : vector<1x16xf32> to vector<16xf32>
        %add3A_606 = arith.addf %while3A_494, %get3A_605 : vector<16xf32>
        %get3A_607 = arith.index_cast %while3A_478 : i32 to index
        %get3A_608 = arith.constant 256 : index
        %get3A_609 = tpu.vector_load %arg9[%get3A_607, %get3A_608] {strides = array<i32>} : memref<128x768xf32, #tpu.memory_space<vmem>>, vector<1x16xf32>,
        %get3A_610 = vector.shape_cast %get3A_609 : vector<1x16xf32> to vector<16xf32>
        %add3A_611 = arith.addf %while3A_495, %get3A_610 : vector<16xf32>
        %get3A_612 = arith.index_cast %while3A_478 : i32 to index
        %get3A_613 = arith.constant 272 : index
        %get3A_614 = tpu.vector_load %arg9[%get3A_612, %get3A_613] {strides = array<i32>} : memref<128x768xf32, #tpu.memory_space<vmem>>, vector<1x16xf32>,
        %get3A_615 = vector.shape_cast %get3A_614 : vector<1x16xf32> to vector<16xf32>
        %add3A_616 = arith.addf %while3A_496, %get3A_615 : vector<16xf32>
        %get3A_617 = arith.index_cast %while3A_478 : i32 to index
        %get3A_618 = arith.constant 288 : index
        %get3A_619 = tpu.vector_load %arg9[%get3A_617, %get3A_618] {strides = array<i32>} : memref<128x768xf32, #tpu.memory_space<vmem>>, vector<1x16xf32>,
        %get3A_620 = vector.shape_cast %get3A_619 : vector<1x16xf32> to vector<16xf32>
        %add3A_621 = arith.addf %while3A_497, %get3A_620 : vector<16xf32>
        %get3A_622 = arith.index_cast %while3A_478 : i32 to index
        %get3A_623 = arith.constant 304 : index
        %get3A_624 = tpu.vector_load %arg9[%get3A_622, %get3A_623] {strides = array<i32>} : memref<128x768xf32, #tpu.memory_space<vmem>>, vector<1x16xf32>,
        %get3A_625 = vector.shape_cast %get3A_624 : vector<1x16xf32> to vector<16xf32>
        %add3A_626 = arith.addf %while3A_498, %get3A_625 : vector<16xf32>
        %get3A_627 = arith.index_cast %while3A_478 : i32 to index
        %get3A_628 = arith.constant 320 : index
        %get3A_629 = tpu.vector_load %arg9[%get3A_627, %get3A_628] {strides = array<i32>} : memref<128x768xf32, #tpu.memory_space<vmem>>, vector<1x16xf32>,
        %get3A_630 = vector.shape_cast %get3A_629 : vector<1x16xf32> to vector<16xf32>
        %add3A_631 = arith.addf %while3A_499, %get3A_630 : vector<16xf32>
        %get3A_632 = arith.index_cast %while3A_478 : i32 to index
        %get3A_633 = arith.constant 336 : index
        %get3A_634 = tpu.vector_load %arg9[%get3A_632, %get3A_633] {strides = array<i32>} : memref<128x768xf32, #tpu.memory_space<vmem>>, vector<1x16xf32>,
        %get3A_635 = vector.shape_cast %get3A_634 : vector<1x16xf32> to vector<16xf32>
        %add3A_636 = arith.addf %while3A_500, %get3A_635 : vector<16xf32>
        %get3A_637 = arith.index_cast %while3A_478 : i32 to index
        %get3A_638 = arith.constant 352 : index
        %get3A_639 = tpu.vector_load %arg9[%get3A_637, %get3A_638] {strides = array<i32>} : memref<128x768xf32, #tpu.memory_space<vmem>>, vector<1x16xf32>,
        %get3A_640 = vector.shape_cast %get3A_639 : vector<1x16xf32> to vector<16xf32>
        %add3A_641 = arith.addf %while3A_501, %get3A_640 : vector<16xf32>
        %get3A_642 = arith.index_cast %while3A_478 : i32 to index
        %get3A_643 = arith.constant 368 : index
        %get3A_644 = tpu.vector_load %arg9[%get3A_642, %get3A_643] {strides = array<i32>} : memref<128x768xf32, #tpu.memory_space<vmem>>, vector<1x16xf32>,
        %get3A_645 = vector.shape_cast %get3A_644 : vector<1x16xf32> to vector<16xf32>
        %add3A_646 = arith.addf %while3A_502, %get3A_645 : vector<16xf32>
        %get3A_647 = arith.index_cast %while3A_478 : i32 to index
        %get3A_648 = arith.constant 384 : index
        %get3A_649 = tpu.vector_load %arg9[%get3A_647, %get3A_648] {strides = array<i32>} : memref<128x768xf32, #tpu.memory_space<vmem>>, vector<1x16xf32>,
        %get3A_650 = vector.shape_cast %get3A_649 : vector<1x16xf32> to vector<16xf32>
        %add3A_651 = arith.addf %while3A_503, %get3A_650 : vector<16xf32>
        %get3A_652 = arith.index_cast %while3A_478 : i32 to index
        %get3A_653 = arith.constant 400 : index
        %get3A_654 = tpu.vector_load %arg9[%get3A_652, %get3A_653] {strides = array<i32>} : memref<128x768xf32, #tpu.memory_space<vmem>>, vector<1x16xf32>,
        %get3A_655 = vector.shape_cast %get3A_654 : vector<1x16xf32> to vector<16xf32>
        %add3A_656 = arith.addf %while3A_504, %get3A_655 : vector<16xf32>
        %get3A_657 = arith.index_cast %while3A_478 : i32 to index
        %get3A_658 = arith.constant 416 : index
        %get3A_659 = tpu.vector_load %arg9[%get3A_657, %get3A_658] {strides = array<i32>} : memref<128x768xf32, #tpu.memory_space<vmem>>, vector<1x16xf32>,
        %get3A_660 = vector.shape_cast %get3A_659 : vector<1x16xf32> to vector<16xf32>
        %add3A_661 = arith.addf %while3A_505, %get3A_660 : vector<16xf32>
        %get3A_662 = arith.index_cast %while3A_478 : i32 to index
        %get3A_663 = arith.constant 432 : index
        %get3A_664 = tpu.vector_load %arg9[%get3A_662, %get3A_663] {strides = array<i32>} : memref<128x768xf32, #tpu.memory_space<vmem>>, vector<1x16xf32>,
        %get3A_665 = vector.shape_cast %get3A_664 : vector<1x16xf32> to vector<16xf32>
        %add3A_666 = arith.addf %while3A_506, %get3A_665 : vector<16xf32>
        %get3A_667 = arith.index_cast %while3A_478 : i32 to index
        %get3A_668 = arith.constant 448 : index
        %get3A_669 = tpu.vector_load %arg9[%get3A_667, %get3A_668] {strides = array<i32>} : memref<128x768xf32, #tpu.memory_space<vmem>>, vector<1x16xf32>,
        %get3A_670 = vector.shape_cast %get3A_669 : vector<1x16xf32> to vector<16xf32>
        %add3A_671 = arith.addf %while3A_507, %get3A_670 : vector<16xf32>
        %get3A_672 = arith.index_cast %while3A_478 : i32 to index
        %get3A_673 = arith.constant 464 : index
        %get3A_674 = tpu.vector_load %arg9[%get3A_672, %get3A_673] {strides = array<i32>} : memref<128x768xf32, #tpu.memory_space<vmem>>, vector<1x16xf32>,
        %get3A_675 = vector.shape_cast %get3A_674 : vector<1x16xf32> to vector<16xf32>
        %add3A_676 = arith.addf %while3A_508, %get3A_675 : vector<16xf32>
        %get3A_677 = arith.index_cast %while3A_478 : i32 to index
        %get3A_678 = arith.constant 480 : index
        %get3A_679 = tpu.vector_load %arg9[%get3A_677, %get3A_678] {strides = array<i32>} : memref<128x768xf32, #tpu.memory_space<vmem>>, vector<1x16xf32>,
        %get3A_680 = vector.shape_cast %get3A_679 : vector<1x16xf32> to vector<16xf32>
        %add3A_681 = arith.addf %while3A_509, %get3A_680 : vector<16xf32>
        %get3A_682 = arith.index_cast %while3A_478 : i32 to index
        %get3A_683 = arith.constant 496 : index
        %get3A_684 = tpu.vector_load %arg9[%get3A_682, %get3A_683] {strides = array<i32>} : memref<128x768xf32, #tpu.memory_space<vmem>>, vector<1x16xf32>,
        %get3A_685 = vector.shape_cast %get3A_684 : vector<1x16xf32> to vector<16xf32>
        %add3A_686 = arith.addf %while3A_510, %get3A_685 : vector<16xf32>
        %get3A_687 = arith.index_cast %while3A_478 : i32 to index
        %get3A_688 = arith.constant 512 : index
        %get3A_689 = tpu.vector_load %arg9[%get3A_687, %get3A_688] {strides = array<i32>} : memref<128x768xf32, #tpu.memory_space<vmem>>, vector<1x16xf32>,
        %get3A_690 = vector.shape_cast %get3A_689 : vector<1x16xf32> to vector<16xf32>
        %add3A_691 = arith.addf %while3A_511, %get3A_690 : vector<16xf32>
        %get3A_692 = arith.index_cast %while3A_478 : i32 to index
        %get3A_693 = arith.constant 528 : index
        %get3A_694 = tpu.vector_load %arg9[%get3A_692, %get3A_693] {strides = array<i32>} : memref<128x768xf32, #tpu.memory_space<vmem>>, vector<1x16xf32>,
        %get3A_695 = vector.shape_cast %get3A_694 : vector<1x16xf32> to vector<16xf32>
        %add3A_696 = arith.addf %while3A_512, %get3A_695 : vector<16xf32>
        %get3A_697 = arith.index_cast %while3A_478 : i32 to index
        %get3A_698 = arith.constant 544 : index
        %get3A_699 = tpu.vector_load %arg9[%get3A_697, %get3A_698] {strides = array<i32>} : memref<128x768xf32, #tpu.memory_space<vmem>>, vector<1x16xf32>,
        %get3A_700 = vector.shape_cast %get3A_699 : vector<1x16xf32> to vector<16xf32>
        %add3A_701 = arith.addf %while3A_513, %get3A_700 : vector<16xf32>
        %get3A_702 = arith.index_cast %while3A_478 : i32 to index
        %get3A_703 = arith.constant 560 : index
        %get3A_704 = tpu.vector_load %arg9[%get3A_702, %get3A_703] {strides = array<i32>} : memref<128x768xf32, #tpu.memory_space<vmem>>, vector<1x16xf32>,
        %get3A_705 = vector.shape_cast %get3A_704 : vector<1x16xf32> to vector<16xf32>
        %add3A_706 = arith.addf %while3A_514, %get3A_705 : vector<16xf32>
        %get3A_707 = arith.index_cast %while3A_478 : i32 to index
        %get3A_708 = arith.constant 576 : index
        %get3A_709 = tpu.vector_load %arg9[%get3A_707, %get3A_708] {strides = array<i32>} : memref<128x768xf32, #tpu.memory_space<vmem>>, vector<1x16xf32>,
        %get3A_710 = vector.shape_cast %get3A_709 : vector<1x16xf32> to vector<16xf32>
        %add3A_711 = arith.addf %while3A_515, %get3A_710 : vector<16xf32>
        %get3A_712 = arith.index_cast %while3A_478 : i32 to index
        %get3A_713 = arith.constant 592 : index
        %get3A_714 = tpu.vector_load %arg9[%get3A_712, %get3A_713] {strides = array<i32>} : memref<128x768xf32, #tpu.memory_space<vmem>>, vector<1x16xf32>,
        %get3A_715 = vector.shape_cast %get3A_714 : vector<1x16xf32> to vector<16xf32>
        %add3A_716 = arith.addf %while3A_516, %get3A_715 : vector<16xf32>
        %get3A_717 = arith.index_cast %while3A_478 : i32 to index
        %get3A_718 = arith.constant 608 : index
        %get3A_719 = tpu.vector_load %arg9[%get3A_717, %get3A_718] {strides = array<i32>} : memref<128x768xf32, #tpu.memory_space<vmem>>, vector<1x16xf32>,
        %get3A_720 = vector.shape_cast %get3A_719 : vector<1x16xf32> to vector<16xf32>
        %add3A_721 = arith.addf %while3A_517, %get3A_720 : vector<16xf32>
        %get3A_722 = arith.index_cast %while3A_478 : i32 to index
        %get3A_723 = arith.constant 624 : index
        %get3A_724 = tpu.vector_load %arg9[%get3A_722, %get3A_723] {strides = array<i32>} : memref<128x768xf32, #tpu.memory_space<vmem>>, vector<1x16xf32>,
        %get3A_725 = vector.shape_cast %get3A_724 : vector<1x16xf32> to vector<16xf32>
        %add3A_726 = arith.addf %while3A_518, %get3A_725 : vector<16xf32>
        %get3A_727 = arith.index_cast %while3A_478 : i32 to index
        %get3A_728 = arith.constant 640 : index
        %get3A_729 = tpu.vector_load %arg9[%get3A_727, %get3A_728] {strides = array<i32>} : memref<128x768xf32, #tpu.memory_space<vmem>>, vector<1x16xf32>,
        %get3A_730 = vector.shape_cast %get3A_729 : vector<1x16xf32> to vector<16xf32>
        %add3A_731 = arith.addf %while3A_519, %get3A_730 : vector<16xf32>
        %get3A_732 = arith.index_cast %while3A_478 : i32 to index
        %get3A_733 = arith.constant 656 : index
        %get3A_734 = tpu.vector_load %arg9[%get3A_732, %get3A_733] {strides = array<i32>} : memref<128x768xf32, #tpu.memory_space<vmem>>, vector<1x16xf32>,
        %get3A_735 = vector.shape_cast %get3A_734 : vector<1x16xf32> to vector<16xf32>
        %add3A_736 = arith.addf %while3A_520, %get3A_735 : vector<16xf32>
        %get3A_737 = arith.index_cast %while3A_478 : i32 to index
        %get3A_738 = arith.constant 672 : index
        %get3A_739 = tpu.vector_load %arg9[%get3A_737, %get3A_738] {strides = array<i32>} : memref<128x768xf32, #tpu.memory_space<vmem>>, vector<1x16xf32>,
        %get3A_740 = vector.shape_cast %get3A_739 : vector<1x16xf32> to vector<16xf32>
        %add3A_741 = arith.addf %while3A_521, %get3A_740 : vector<16xf32>
        %get3A_742 = arith.index_cast %while3A_478 : i32 to index
        %get3A_743 = arith.constant 688 : index
        %get3A_744 = tpu.vector_load %arg9[%get3A_742, %get3A_743] {strides = array<i32>} : memref<128x768xf32, #tpu.memory_space<vmem>>, vector<1x16xf32>,
        %get3A_745 = vector.shape_cast %get3A_744 : vector<1x16xf32> to vector<16xf32>
        %add3A_746 = arith.addf %while3A_522, %get3A_745 : vector<16xf32>
        %get3A_747 = arith.index_cast %while3A_478 : i32 to index
        %get3A_748 = arith.constant 704 : index
        %get3A_749 = tpu.vector_load %arg9[%get3A_747, %get3A_748] {strides = array<i32>} : memref<128x768xf32, #tpu.memory_space<vmem>>, vector<1x16xf32>,
        %get3A_750 = vector.shape_cast %get3A_749 : vector<1x16xf32> to vector<16xf32>
        %add3A_751 = arith.addf %while3A_523, %get3A_750 : vector<16xf32>
        %get3A_752 = arith.index_cast %while3A_478 : i32 to index
        %get3A_753 = arith.constant 720 : index
        %get3A_754 = tpu.vector_load %arg9[%get3A_752, %get3A_753] {strides = array<i32>} : memref<128x768xf32, #tpu.memory_space<vmem>>, vector<1x16xf32>,
        %get3A_755 = vector.shape_cast %get3A_754 : vector<1x16xf32> to vector<16xf32>
        %add3A_756 = arith.addf %while3A_524, %get3A_755 : vector<16xf32>
        %get3A_757 = arith.index_cast %while3A_478 : i32 to index
        %get3A_758 = arith.constant 736 : index
        %get3A_759 = tpu.vector_load %arg9[%get3A_757, %get3A_758] {strides = array<i32>} : memref<128x768xf32, #tpu.memory_space<vmem>>, vector<1x16xf32>,
        %get3A_760 = vector.shape_cast %get3A_759 : vector<1x16xf32> to vector<16xf32>
        %add3A_761 = arith.addf %while3A_525, %get3A_760 : vector<16xf32>
        %get3A_762 = arith.index_cast %while3A_478 : i32 to index
        %get3A_763 = arith.constant 752 : index
        %get3A_764 = tpu.vector_load %arg9[%get3A_762, %get3A_763] {strides = array<i32>} : memref<128x768xf32, #tpu.memory_space<vmem>>, vector<1x16xf32>,
        %get3A_765 = vector.shape_cast %get3A_764 : vector<1x16xf32> to vector<16xf32>
        %add3A_766 = arith.addf %while3A_526, %get3A_765 : vector<16xf32>
        %add3A_767 = arith.constant 1 : i32
        %add3A_768 = arith.addi %while3A_478, %add3A_767 : i32
        %eq3A_769 = arith.constant 128 : i32
        %eq3A_770 = arith.cmpi eq, %add3A_768, %eq3A_769 : i32
        %jit3A = arith.constant 0 : i32
        %select_n3A = arith.select %eq3A_770, %jit3A, %add3A_768 : i32
        scf.yield %select_n3A, %add3A_531, %add3A_536, %add3A_541, %add3A_546, %add3A_551, %add3A_556, %add3A_561, %add3A_566, %add3A_571, %add3A_576, %add3A_581, %add3A_586, %add3A_591, %add3A_596, %add3A_601, %add3A_606, %add3A_611, %add3A_616, %add3A_621, %add3A_626, %add3A_631, %add3A_636, %add3A_641, %add3A_646, %add3A_651, %add3A_656, %add3A_661, %add3A_666, %add3A_671, %add3A_676, %add3A_681, %add3A_686, %add3A_691, %add3A_696, %add3A_701, %add3A_706, %add3A_711, %add3A_716, %add3A_721, %add3A_726, %add3A_731, %add3A_736, %add3A_741, %add3A_746, %add3A_751, %add3A_756, %add3A_761, %add3A_766 : i32, vector<16xf32>, vector<16xf32>, vector<16xf32>, vector<16xf32>, vector<16xf32>, vector<16xf32>, vector<16xf32>, vector<16xf32>, vector<16xf32>, vector<16xf32>, vector<16xf32>, vector<16xf32>, vector<16xf32>, vector<16xf32>, vector<16xf32>, vector<16xf32>, vector<16xf32>, vector<16xf32>, vector<16xf32>, vector<16xf32>, vector<16xf32>, vector<16xf32>, vector<16xf32>, vector<16xf32>, vector<16xf32>, vector<16xf32>, vector<16xf32>, vector<16xf32>, vector<16xf32>, vector<16xf32>, vector<16xf32>, vector<16xf32>, vector<16xf32>, vector<16xf32>, vector<16xf32>, vector<16xf32>, vector<16xf32>, vector<16xf32>, vector<16xf32>, vector<16xf32>, vector<16xf32>, vector<16xf32>, vector<16xf32>, vector<16xf32>, vector<16xf32>, vector<16xf32>, vector<16xf32>, vector<16xf32>
      }
      %while3A_138 = arith.constant 1 : i32
      %while3A_139:49 = scf.for %while3A_477 = %while3A_135 to %while3A_131 step %while3A_138 iter_args(%while3A_478 = %while3A_137#0, %while3A_479 = %while3A_137#1, %while3A_480 = %while3A_137#2, %while3A_481 = %while3A_137#3, %while3A_482 = %while3A_137#4, %while3A_483 = %while3A_137#5, %while3A_484 = %while3A_137#6, %while3A_485 = %while3A_137#7, %while3A_486 = %while3A_137#8, %while3A_487 = %while3A_137#9, %while3A_488 = %while3A_137#10, %while3A_489 = %while3A_137#11, %while3A_490 = %while3A_137#12, %while3A_491 = %while3A_137#13, %while3A_492 = %while3A_137#14, %while3A_493 = %while3A_137#15, %while3A_494 = %while3A_137#16, %while3A_495 = %while3A_137#17, %while3A_496 = %while3A_137#18, %while3A_497 = %while3A_137#19, %while3A_498 = %while3A_137#20, %while3A_499 = %while3A_137#21, %while3A_500 = %while3A_137#22, %while3A_501 = %while3A_137#23, %while3A_502 = %while3A_137#24, %while3A_503 = %while3A_137#25, %while3A_504 = %while3A_137#26, %while3A_505 = %while3A_137#27, %while3A_506 = %while3A_137#28, %while3A_507 = %while3A_137#29, %while3A_508 = %while3A_137#30, %while3A_509 = %while3A_137#31, %while3A_510 = %while3A_137#32, %while3A_511 = %while3A_137#33, %while3A_512 = %while3A_137#34, %while3A_513 = %while3A_137#35, %while3A_514 = %while3A_137#36, %while3A_515 = %while3A_137#37, %while3A_516 = %while3A_137#38, %while3A_517 = %while3A_137#39, %while3A_518 = %while3A_137#40, %while3A_519 = %while3A_137#41, %while3A_520 = %while3A_137#42, %while3A_521 = %while3A_137#43, %while3A_522 = %while3A_137#44, %while3A_523 = %while3A_137#45, %while3A_524 = %while3A_137#46, %while3A_525 = %while3A_137#47, %while3A_526 = %while3A_137#48) -> (i32, vector<16xf32>, vector<16xf32>, vector<16xf32>, vector<16xf32>, vector<16xf32>, vector<16xf32>, vector<16xf32>, vector<16xf32>, vector<16xf32>, vector<16xf32>, vector<16xf32>, vector<16xf32>, vector<16xf32>, vector<16xf32>, vector<16xf32>, vector<16xf32>, vector<16xf32>, vector<16xf32>, vector<16xf32>, vector<16xf32>, vector<16xf32>, vector<16xf32>, vector<16xf32>, vector<16xf32>, vector<16xf32>, vector<16xf32>, vector<16xf32>, vector<16xf32>, vector<16xf32>, vector<16xf32>, vector<16xf32>, vector<16xf32>, vector<16xf32>, vector<16xf32>, vector<16xf32>, vector<16xf32>, vector<16xf32>, vector<16xf32>, vector<16xf32>, vector<16xf32>, vector<16xf32>, vector<16xf32>, vector<16xf32>, vector<16xf32>, vector<16xf32>, vector<16xf32>, vector<16xf32>, vector<16xf32>)  : i32 {
        %get3A_527 = arith.index_cast %while3A_478 : i32 to index
        %get3A_528 = arith.constant 0 : index
        %get3A_529 = tpu.vector_load %arg9[%get3A_527, %get3A_528] {strides = array<i32>} : memref<128x768xf32, #tpu.memory_space<vmem>>, vector<1x16xf32>,
        %get3A_530 = vector.shape_cast %get3A_529 : vector<1x16xf32> to vector<16xf32>
        %add3A_531 = arith.addf %while3A_479, %get3A_530 : vector<16xf32>
        %get3A_532 = arith.index_cast %while3A_478 : i32 to index
        %get3A_533 = arith.constant 16 : index
        %get3A_534 = tpu.vector_load %arg9[%get3A_532, %get3A_533] {strides = array<i32>} : memref<128x768xf32, #tpu.memory_space<vmem>>, vector<1x16xf32>,
        %get3A_535 = vector.shape_cast %get3A_534 : vector<1x16xf32> to vector<16xf32>
        %add3A_536 = arith.addf %while3A_480, %get3A_535 : vector<16xf32>
        %get3A_537 = arith.index_cast %while3A_478 : i32 to index
        %get3A_538 = arith.constant 32 : index
        %get3A_539 = tpu.vector_load %arg9[%get3A_537, %get3A_538] {strides = array<i32>} : memref<128x768xf32, #tpu.memory_space<vmem>>, vector<1x16xf32>,
        %get3A_540 = vector.shape_cast %get3A_539 : vector<1x16xf32> to vector<16xf32>
        %add3A_541 = arith.addf %while3A_481, %get3A_540 : vector<16xf32>
        %get3A_542 = arith.index_cast %while3A_478 : i32 to index
        %get3A_543 = arith.constant 48 : index
        %get3A_544 = tpu.vector_load %arg9[%get3A_542, %get3A_543] {strides = array<i32>} : memref<128x768xf32, #tpu.memory_space<vmem>>, vector<1x16xf32>,
        %get3A_545 = vector.shape_cast %get3A_544 : vector<1x16xf32> to vector<16xf32>
        %add3A_546 = arith.addf %while3A_482, %get3A_545 : vector<16xf32>
        %get3A_547 = arith.index_cast %while3A_478 : i32 to index
        %get3A_548 = arith.constant 64 : index
        %get3A_549 = tpu.vector_load %arg9[%get3A_547, %get3A_548] {strides = array<i32>} : memref<128x768xf32, #tpu.memory_space<vmem>>, vector<1x16xf32>,
        %get3A_550 = vector.shape_cast %get3A_549 : vector<1x16xf32> to vector<16xf32>
        %add3A_551 = arith.addf %while3A_483, %get3A_550 : vector<16xf32>
        %get3A_552 = arith.index_cast %while3A_478 : i32 to index
        %get3A_553 = arith.constant 80 : index
        %get3A_554 = tpu.vector_load %arg9[%get3A_552, %get3A_553] {strides = array<i32>} : memref<128x768xf32, #tpu.memory_space<vmem>>, vector<1x16xf32>,
        %get3A_555 = vector.shape_cast %get3A_554 : vector<1x16xf32> to vector<16xf32>
        %add3A_556 = arith.addf %while3A_484, %get3A_555 : vector<16xf32>
        %get3A_557 = arith.index_cast %while3A_478 : i32 to index
        %get3A_558 = arith.constant 96 : index
        %get3A_559 = tpu.vector_load %arg9[%get3A_557, %get3A_558] {strides = array<i32>} : memref<128x768xf32, #tpu.memory_space<vmem>>, vector<1x16xf32>,
        %get3A_560 = vector.shape_cast %get3A_559 : vector<1x16xf32> to vector<16xf32>
        %add3A_561 = arith.addf %while3A_485, %get3A_560 : vector<16xf32>
        %get3A_562 = arith.index_cast %while3A_478 : i32 to index
        %get3A_563 = arith.constant 112 : index
        %get3A_564 = tpu.vector_load %arg9[%get3A_562, %get3A_563] {strides = array<i32>} : memref<128x768xf32, #tpu.memory_space<vmem>>, vector<1x16xf32>,
        %get3A_565 = vector.shape_cast %get3A_564 : vector<1x16xf32> to vector<16xf32>
        %add3A_566 = arith.addf %while3A_486, %get3A_565 : vector<16xf32>
        %get3A_567 = arith.index_cast %while3A_478 : i32 to index
        %get3A_568 = arith.constant 128 : index
        %get3A_569 = tpu.vector_load %arg9[%get3A_567, %get3A_568] {strides = array<i32>} : memref<128x768xf32, #tpu.memory_space<vmem>>, vector<1x16xf32>,
        %get3A_570 = vector.shape_cast %get3A_569 : vector<1x16xf32> to vector<16xf32>
        %add3A_571 = arith.addf %while3A_487, %get3A_570 : vector<16xf32>
        %get3A_572 = arith.index_cast %while3A_478 : i32 to index
        %get3A_573 = arith.constant 144 : index
        %get3A_574 = tpu.vector_load %arg9[%get3A_572, %get3A_573] {strides = array<i32>} : memref<128x768xf32, #tpu.memory_space<vmem>>, vector<1x16xf32>,
        %get3A_575 = vector.shape_cast %get3A_574 : vector<1x16xf32> to vector<16xf32>
        %add3A_576 = arith.addf %while3A_488, %get3A_575 : vector<16xf32>
        %get3A_577 = arith.index_cast %while3A_478 : i32 to index
        %get3A_578 = arith.constant 160 : index
        %get3A_579 = tpu.vector_load %arg9[%get3A_577, %get3A_578] {strides = array<i32>} : memref<128x768xf32, #tpu.memory_space<vmem>>, vector<1x16xf32>,
        %get3A_580 = vector.shape_cast %get3A_579 : vector<1x16xf32> to vector<16xf32>
        %add3A_581 = arith.addf %while3A_489, %get3A_580 : vector<16xf32>
        %get3A_582 = arith.index_cast %while3A_478 : i32 to index
        %get3A_583 = arith.constant 176 : index
        %get3A_584 = tpu.vector_load %arg9[%get3A_582, %get3A_583] {strides = array<i32>} : memref<128x768xf32, #tpu.memory_space<vmem>>, vector<1x16xf32>,
        %get3A_585 = vector.shape_cast %get3A_584 : vector<1x16xf32> to vector<16xf32>
        %add3A_586 = arith.addf %while3A_490, %get3A_585 : vector<16xf32>
        %get3A_587 = arith.index_cast %while3A_478 : i32 to index
        %get3A_588 = arith.constant 192 : index
        %get3A_589 = tpu.vector_load %arg9[%get3A_587, %get3A_588] {strides = array<i32>} : memref<128x768xf32, #tpu.memory_space<vmem>>, vector<1x16xf32>,
        %get3A_590 = vector.shape_cast %get3A_589 : vector<1x16xf32> to vector<16xf32>
        %add3A_591 = arith.addf %while3A_491, %get3A_590 : vector<16xf32>
        %get3A_592 = arith.index_cast %while3A_478 : i32 to index
        %get3A_593 = arith.constant 208 : index
        %get3A_594 = tpu.vector_load %arg9[%get3A_592, %get3A_593] {strides = array<i32>} : memref<128x768xf32, #tpu.memory_space<vmem>>, vector<1x16xf32>,
        %get3A_595 = vector.shape_cast %get3A_594 : vector<1x16xf32> to vector<16xf32>
        %add3A_596 = arith.addf %while3A_492, %get3A_595 : vector<16xf32>
        %get3A_597 = arith.index_cast %while3A_478 : i32 to index
        %get3A_598 = arith.constant 224 : index
        %get3A_599 = tpu.vector_load %arg9[%get3A_597, %get3A_598] {strides = array<i32>} : memref<128x768xf32, #tpu.memory_space<vmem>>, vector<1x16xf32>,
        %get3A_600 = vector.shape_cast %get3A_599 : vector<1x16xf32> to vector<16xf32>
        %add3A_601 = arith.addf %while3A_493, %get3A_600 : vector<16xf32>
        %get3A_602 = arith.index_cast %while3A_478 : i32 to index
        %get3A_603 = arith.constant 240 : index
        %get3A_604 = tpu.vector_load %arg9[%get3A_602, %get3A_603] {strides = array<i32>} : memref<128x768xf32, #tpu.memory_space<vmem>>, vector<1x16xf32>,
        %get3A_605 = vector.shape_cast %get3A_604 : vector<1x16xf32> to vector<16xf32>
        %add3A_606 = arith.addf %while3A_494, %get3A_605 : vector<16xf32>
        %get3A_607 = arith.index_cast %while3A_478 : i32 to index
        %get3A_608 = arith.constant 256 : index
        %get3A_609 = tpu.vector_load %arg9[%get3A_607, %get3A_608] {strides = array<i32>} : memref<128x768xf32, #tpu.memory_space<vmem>>, vector<1x16xf32>,
        %get3A_610 = vector.shape_cast %get3A_609 : vector<1x16xf32> to vector<16xf32>
        %add3A_611 = arith.addf %while3A_495, %get3A_610 : vector<16xf32>
        %get3A_612 = arith.index_cast %while3A_478 : i32 to index
        %get3A_613 = arith.constant 272 : index
        %get3A_614 = tpu.vector_load %arg9[%get3A_612, %get3A_613] {strides = array<i32>} : memref<128x768xf32, #tpu.memory_space<vmem>>, vector<1x16xf32>,
        %get3A_615 = vector.shape_cast %get3A_614 : vector<1x16xf32> to vector<16xf32>
        %add3A_616 = arith.addf %while3A_496, %get3A_615 : vector<16xf32>
        %get3A_617 = arith.index_cast %while3A_478 : i32 to index
        %get3A_618 = arith.constant 288 : index
        %get3A_619 = tpu.vector_load %arg9[%get3A_617, %get3A_618] {strides = array<i32>} : memref<128x768xf32, #tpu.memory_space<vmem>>, vector<1x16xf32>,
        %get3A_620 = vector.shape_cast %get3A_619 : vector<1x16xf32> to vector<16xf32>
        %add3A_621 = arith.addf %while3A_497, %get3A_620 : vector<16xf32>
        %get3A_622 = arith.index_cast %while3A_478 : i32 to index
        %get3A_623 = arith.constant 304 : index
        %get3A_624 = tpu.vector_load %arg9[%get3A_622, %get3A_623] {strides = array<i32>} : memref<128x768xf32, #tpu.memory_space<vmem>>, vector<1x16xf32>,
        %get3A_625 = vector.shape_cast %get3A_624 : vector<1x16xf32> to vector<16xf32>
        %add3A_626 = arith.addf %while3A_498, %get3A_625 : vector<16xf32>
        %get3A_627 = arith.index_cast %while3A_478 : i32 to index
        %get3A_628 = arith.constant 320 : index
        %get3A_629 = tpu.vector_load %arg9[%get3A_627, %get3A_628] {strides = array<i32>} : memref<128x768xf32, #tpu.memory_space<vmem>>, vector<1x16xf32>,
        %get3A_630 = vector.shape_cast %get3A_629 : vector<1x16xf32> to vector<16xf32>
        %add3A_631 = arith.addf %while3A_499, %get3A_630 : vector<16xf32>
        %get3A_632 = arith.index_cast %while3A_478 : i32 to index
        %get3A_633 = arith.constant 336 : index
        %get3A_634 = tpu.vector_load %arg9[%get3A_632, %get3A_633] {strides = array<i32>} : memref<128x768xf32, #tpu.memory_space<vmem>>, vector<1x16xf32>,
        %get3A_635 = vector.shape_cast %get3A_634 : vector<1x16xf32> to vector<16xf32>
        %add3A_636 = arith.addf %while3A_500, %get3A_635 : vector<16xf32>
        %get3A_637 = arith.index_cast %while3A_478 : i32 to index
        %get3A_638 = arith.constant 352 : index
        %get3A_639 = tpu.vector_load %arg9[%get3A_637, %get3A_638] {strides = array<i32>} : memref<128x768xf32, #tpu.memory_space<vmem>>, vector<1x16xf32>,
        %get3A_640 = vector.shape_cast %get3A_639 : vector<1x16xf32> to vector<16xf32>
        %add3A_641 = arith.addf %while3A_501, %get3A_640 : vector<16xf32>
        %get3A_642 = arith.index_cast %while3A_478 : i32 to index
        %get3A_643 = arith.constant 368 : index
        %get3A_644 = tpu.vector_load %arg9[%get3A_642, %get3A_643] {strides = array<i32>} : memref<128x768xf32, #tpu.memory_space<vmem>>, vector<1x16xf32>,
        %get3A_645 = vector.shape_cast %get3A_644 : vector<1x16xf32> to vector<16xf32>
        %add3A_646 = arith.addf %while3A_502, %get3A_645 : vector<16xf32>
        %get3A_647 = arith.index_cast %while3A_478 : i32 to index
        %get3A_648 = arith.constant 384 : index
        %get3A_649 = tpu.vector_load %arg9[%get3A_647, %get3A_648] {strides = array<i32>} : memref<128x768xf32, #tpu.memory_space<vmem>>, vector<1x16xf32>,
        %get3A_650 = vector.shape_cast %get3A_649 : vector<1x16xf32> to vector<16xf32>
        %add3A_651 = arith.addf %while3A_503, %get3A_650 : vector<16xf32>
        %get3A_652 = arith.index_cast %while3A_478 : i32 to index
        %get3A_653 = arith.constant 400 : index
        %get3A_654 = tpu.vector_load %arg9[%get3A_652, %get3A_653] {strides = array<i32>} : memref<128x768xf32, #tpu.memory_space<vmem>>, vector<1x16xf32>,
        %get3A_655 = vector.shape_cast %get3A_654 : vector<1x16xf32> to vector<16xf32>
        %add3A_656 = arith.addf %while3A_504, %get3A_655 : vector<16xf32>
        %get3A_657 = arith.index_cast %while3A_478 : i32 to index
        %get3A_658 = arith.constant 416 : index
        %get3A_659 = tpu.vector_load %arg9[%get3A_657, %get3A_658] {strides = array<i32>} : memref<128x768xf32, #tpu.memory_space<vmem>>, vector<1x16xf32>,
        %get3A_660 = vector.shape_cast %get3A_659 : vector<1x16xf32> to vector<16xf32>
        %add3A_661 = arith.addf %while3A_505, %get3A_660 : vector<16xf32>
        %get3A_662 = arith.index_cast %while3A_478 : i32 to index
        %get3A_663 = arith.constant 432 : index
        %get3A_664 = tpu.vector_load %arg9[%get3A_662, %get3A_663] {strides = array<i32>} : memref<128x768xf32, #tpu.memory_space<vmem>>, vector<1x16xf32>,
        %get3A_665 = vector.shape_cast %get3A_664 : vector<1x16xf32> to vector<16xf32>
        %add3A_666 = arith.addf %while3A_506, %get3A_665 : vector<16xf32>
        %get3A_667 = arith.index_cast %while3A_478 : i32 to index
        %get3A_668 = arith.constant 448 : index
        %get3A_669 = tpu.vector_load %arg9[%get3A_667, %get3A_668] {strides = array<i32>} : memref<128x768xf32, #tpu.memory_space<vmem>>, vector<1x16xf32>,
        %get3A_670 = vector.shape_cast %get3A_669 : vector<1x16xf32> to vector<16xf32>
        %add3A_671 = arith.addf %while3A_507, %get3A_670 : vector<16xf32>
        %get3A_672 = arith.index_cast %while3A_478 : i32 to index
        %get3A_673 = arith.constant 464 : index
        %get3A_674 = tpu.vector_load %arg9[%get3A_672, %get3A_673] {strides = array<i32>} : memref<128x768xf32, #tpu.memory_space<vmem>>, vector<1x16xf32>,
        %get3A_675 = vector.shape_cast %get3A_674 : vector<1x16xf32> to vector<16xf32>
        %add3A_676 = arith.addf %while3A_508, %get3A_675 : vector<16xf32>
        %get3A_677 = arith.index_cast %while3A_478 : i32 to index
        %get3A_678 = arith.constant 480 : index
        %get3A_679 = tpu.vector_load %arg9[%get3A_677, %get3A_678] {strides = array<i32>} : memref<128x768xf32, #tpu.memory_space<vmem>>, vector<1x16xf32>,
        %get3A_680 = vector.shape_cast %get3A_679 : vector<1x16xf32> to vector<16xf32>
        %add3A_681 = arith.addf %while3A_509, %get3A_680 : vector<16xf32>
        %get3A_682 = arith.index_cast %while3A_478 : i32 to index
        %get3A_683 = arith.constant 496 : index
        %get3A_684 = tpu.vector_load %arg9[%get3A_682, %get3A_683] {strides = array<i32>} : memref<128x768xf32, #tpu.memory_space<vmem>>, vector<1x16xf32>,
        %get3A_685 = vector.shape_cast %get3A_684 : vector<1x16xf32> to vector<16xf32>
        %add3A_686 = arith.addf %while3A_510, %get3A_685 : vector<16xf32>
        %get3A_687 = arith.index_cast %while3A_478 : i32 to index
        %get3A_688 = arith.constant 512 : index
        %get3A_689 = tpu.vector_load %arg9[%get3A_687, %get3A_688] {strides = array<i32>} : memref<128x768xf32, #tpu.memory_space<vmem>>, vector<1x16xf32>,
        %get3A_690 = vector.shape_cast %get3A_689 : vector<1x16xf32> to vector<16xf32>
        %add3A_691 = arith.addf %while3A_511, %get3A_690 : vector<16xf32>
        %get3A_692 = arith.index_cast %while3A_478 : i32 to index
        %get3A_693 = arith.constant 528 : index
        %get3A_694 = tpu.vector_load %arg9[%get3A_692, %get3A_693] {strides = array<i32>} : memref<128x768xf32, #tpu.memory_space<vmem>>, vector<1x16xf32>,
        %get3A_695 = vector.shape_cast %get3A_694 : vector<1x16xf32> to vector<16xf32>
        %add3A_696 = arith.addf %while3A_512, %get3A_695 : vector<16xf32>
        %get3A_697 = arith.index_cast %while3A_478 : i32 to index
        %get3A_698 = arith.constant 544 : index
        %get3A_699 = tpu.vector_load %arg9[%get3A_697, %get3A_698] {strides = array<i32>} : memref<128x768xf32, #tpu.memory_space<vmem>>, vector<1x16xf32>,
        %get3A_700 = vector.shape_cast %get3A_699 : vector<1x16xf32> to vector<16xf32>
        %add3A_701 = arith.addf %while3A_513, %get3A_700 : vector<16xf32>
        %get3A_702 = arith.index_cast %while3A_478 : i32 to index
        %get3A_703 = arith.constant 560 : index
        %get3A_704 = tpu.vector_load %arg9[%get3A_702, %get3A_703] {strides = array<i32>} : memref<128x768xf32, #tpu.memory_space<vmem>>, vector<1x16xf32>,
        %get3A_705 = vector.shape_cast %get3A_704 : vector<1x16xf32> to vector<16xf32>
        %add3A_706 = arith.addf %while3A_514, %get3A_705 : vector<16xf32>
        %get3A_707 = arith.index_cast %while3A_478 : i32 to index
        %get3A_708 = arith.constant 576 : index
        %get3A_709 = tpu.vector_load %arg9[%get3A_707, %get3A_708] {strides = array<i32>} : memref<128x768xf32, #tpu.memory_space<vmem>>, vector<1x16xf32>,
        %get3A_710 = vector.shape_cast %get3A_709 : vector<1x16xf32> to vector<16xf32>
        %add3A_711 = arith.addf %while3A_515, %get3A_710 : vector<16xf32>
        %get3A_712 = arith.index_cast %while3A_478 : i32 to index
        %get3A_713 = arith.constant 592 : index
        %get3A_714 = tpu.vector_load %arg9[%get3A_712, %get3A_713] {strides = array<i32>} : memref<128x768xf32, #tpu.memory_space<vmem>>, vector<1x16xf32>,
        %get3A_715 = vector.shape_cast %get3A_714 : vector<1x16xf32> to vector<16xf32>
        %add3A_716 = arith.addf %while3A_516, %get3A_715 : vector<16xf32>
        %get3A_717 = arith.index_cast %while3A_478 : i32 to index
        %get3A_718 = arith.constant 608 : index
        %get3A_719 = tpu.vector_load %arg9[%get3A_717, %get3A_718] {strides = array<i32>} : memref<128x768xf32, #tpu.memory_space<vmem>>, vector<1x16xf32>,
        %get3A_720 = vector.shape_cast %get3A_719 : vector<1x16xf32> to vector<16xf32>
        %add3A_721 = arith.addf %while3A_517, %get3A_720 : vector<16xf32>
        %get3A_722 = arith.index_cast %while3A_478 : i32 to index
        %get3A_723 = arith.constant 624 : index
        %get3A_724 = tpu.vector_load %arg9[%get3A_722, %get3A_723] {strides = array<i32>} : memref<128x768xf32, #tpu.memory_space<vmem>>, vector<1x16xf32>,
        %get3A_725 = vector.shape_cast %get3A_724 : vector<1x16xf32> to vector<16xf32>
        %add3A_726 = arith.addf %while3A_518, %get3A_725 : vector<16xf32>
        %get3A_727 = arith.index_cast %while3A_478 : i32 to index
        %get3A_728 = arith.constant 640 : index
        %get3A_729 = tpu.vector_load %arg9[%get3A_727, %get3A_728] {strides = array<i32>} : memref<128x768xf32, #tpu.memory_space<vmem>>, vector<1x16xf32>,
        %get3A_730 = vector.shape_cast %get3A_729 : vector<1x16xf32> to vector<16xf32>
        %add3A_731 = arith.addf %while3A_519, %get3A_730 : vector<16xf32>
        %get3A_732 = arith.index_cast %while3A_478 : i32 to index
        %get3A_733 = arith.constant 656 : index
        %get3A_734 = tpu.vector_load %arg9[%get3A_732, %get3A_733] {strides = array<i32>} : memref<128x768xf32, #tpu.memory_space<vmem>>, vector<1x16xf32>,
        %get3A_735 = vector.shape_cast %get3A_734 : vector<1x16xf32> to vector<16xf32>
        %add3A_736 = arith.addf %while3A_520, %get3A_735 : vector<16xf32>
        %get3A_737 = arith.index_cast %while3A_478 : i32 to index
        %get3A_738 = arith.constant 672 : index
        %get3A_739 = tpu.vector_load %arg9[%get3A_737, %get3A_738] {strides = array<i32>} : memref<128x768xf32, #tpu.memory_space<vmem>>, vector<1x16xf32>,
        %get3A_740 = vector.shape_cast %get3A_739 : vector<1x16xf32> to vector<16xf32>
        %add3A_741 = arith.addf %while3A_521, %get3A_740 : vector<16xf32>
        %get3A_742 = arith.index_cast %while3A_478 : i32 to index
        %get3A_743 = arith.constant 688 : index
        %get3A_744 = tpu.vector_load %arg9[%get3A_742, %get3A_743] {strides = array<i32>} : memref<128x768xf32, #tpu.memory_space<vmem>>, vector<1x16xf32>,
        %get3A_745 = vector.shape_cast %get3A_744 : vector<1x16xf32> to vector<16xf32>
        %add3A_746 = arith.addf %while3A_522, %get3A_745 : vector<16xf32>
        %get3A_747 = arith.index_cast %while3A_478 : i32 to index
        %get3A_748 = arith.constant 704 : index
        %get3A_749 = tpu.vector_load %arg9[%get3A_747, %get3A_748] {strides = array<i32>} : memref<128x768xf32, #tpu.memory_space<vmem>>, vector<1x16xf32>,
        %get3A_750 = vector.shape_cast %get3A_749 : vector<1x16xf32> to vector<16xf32>
        %add3A_751 = arith.addf %while3A_523, %get3A_750 : vector<16xf32>
        %get3A_752 = arith.index_cast %while3A_478 : i32 to index
        %get3A_753 = arith.constant 720 : index
        %get3A_754 = tpu.vector_load %arg9[%get3A_752, %get3A_753] {strides = array<i32>} : memref<128x768xf32, #tpu.memory_space<vmem>>, vector<1x16xf32>,
        %get3A_755 = vector.shape_cast %get3A_754 : vector<1x16xf32> to vector<16xf32>
        %add3A_756 = arith.addf %while3A_524, %get3A_755 : vector<16xf32>
        %get3A_757 = arith.index_cast %while3A_478 : i32 to index
        %get3A_758 = arith.constant 736 : index
        %get3A_759 = tpu.vector_load %arg9[%get3A_757, %get3A_758] {strides = array<i32>} : memref<128x768xf32, #tpu.memory_space<vmem>>, vector<1x16xf32>,
        %get3A_760 = vector.shape_cast %get3A_759 : vector<1x16xf32> to vector<16xf32>
        %add3A_761 = arith.addf %while3A_525, %get3A_760 : vector<16xf32>
        %get3A_762 = arith.index_cast %while3A_478 : i32 to index
        %get3A_763 = arith.constant 752 : index
        %get3A_764 = tpu.vector_load %arg9[%get3A_762, %get3A_763] {strides = array<i32>} : memref<128x768xf32, #tpu.memory_space<vmem>>, vector<1x16xf32>,
        %get3A_765 = vector.shape_cast %get3A_764 : vector<1x16xf32> to vector<16xf32>
        %add3A_766 = arith.addf %while3A_526, %get3A_765 : vector<16xf32>
        %add3A_767 = arith.constant 1 : i32
        %add3A_768 = arith.addi %while3A_478, %add3A_767 : i32
        %eq3A_769 = arith.constant 128 : i32
        %eq3A_770 = arith.cmpi eq, %add3A_768, %eq3A_769 : i32
        %jit3A = arith.constant 0 : i32
        %select_n3A = arith.select %eq3A_770, %jit3A, %add3A_768 : i32
        scf.yield %select_n3A, %add3A_531, %add3A_536, %add3A_541, %add3A_546, %add3A_551, %add3A_556, %add3A_561, %add3A_566, %add3A_571, %add3A_576, %add3A_581, %add3A_586, %add3A_591, %add3A_596, %add3A_601, %add3A_606, %add3A_611, %add3A_616, %add3A_621, %add3A_626, %add3A_631, %add3A_636, %add3A_641, %add3A_646, %add3A_651, %add3A_656, %add3A_661, %add3A_666, %add3A_671, %add3A_676, %add3A_681, %add3A_686, %add3A_691, %add3A_696, %add3A_701, %add3A_706, %add3A_711, %add3A_716, %add3A_721, %add3A_726, %add3A_731, %add3A_736, %add3A_741, %add3A_746, %add3A_751, %add3A_756, %add3A_761, %add3A_766 : i32, vector<16xf32>, vector<16xf32>, vector<16xf32>, vector<16xf32>, vector<16xf32>, vector<16xf32>, vector<16xf32>, vector<16xf32>, vector<16xf32>, vector<16xf32>, vector<16xf32>, vector<16xf32>, vector<16xf32>, vector<16xf32>, vector<16xf32>, vector<16xf32>, vector<16xf32>, vector<16xf32>, vector<16xf32>, vector<16xf32>, vector<16xf32>, vector<16xf32>, vector<16xf32>, vector<16xf32>, vector<16xf32>, vector<16xf32>, vector<16xf32>, vector<16xf32>, vector<16xf32>, vector<16xf32>, vector<16xf32>, vector<16xf32>, vector<16xf32>, vector<16xf32>, vector<16xf32>, vector<16xf32>, vector<16xf32>, vector<16xf32>, vector<16xf32>, vector<16xf32>, vector<16xf32>, vector<16xf32>, vector<16xf32>, vector<16xf32>, vector<16xf32>, vector<16xf32>, vector<16xf32>, vector<16xf32>
      }
      %add3A_140 = arith.addi %scan3A_77, %squeeze3A : i32
      %add3A_141 = arith.constant 128 : i32
      %add3A_142 = arith.addi %add3A_140, %add3A_141 : i32
      %shift_right_logical3A_143 = arith.constant 4 : i32
      %shift_right_logical3A_144 = arith.shrui %add3A_142, %shift_right_logical3A_143 : i32
      %min3A_145 = arith.minsi %shift_right_logical3A_24, %shift_right_logical3A_144 : i32
      %add3A_146 = arith.constant 0 : i32
      %add3A_147 = arith.addi %scan3A_79, %add3A_146 : i32
      %lt3A = arith.cmpi slt, %add3A_147, %min3A_145 : i32
      %convert_element_type3A_148 = arith.extui %lt3A : i1 to i32
      %cond3A_149 = arith.constant 0 : i32
      %cond3A_150 = arith.cmpi ne, %convert_element_type3A_148, %cond3A_149 : i32
      scf.if %cond3A_150 {
        %add3A_477 = arith.constant 0 : i32
        %add3A_478 = arith.addi %scan3A_79, %add3A_477 : i32
        %mul3A_479 = arith.constant 16 : i32
        %mul3A_480 = arith.muli %add3A_478, %mul3A_479 : i32
        %and3A_481 = arith.constant 127 : i32
        %and3A_482 = arith.andi %mul3A_480, %and3A_481 : i32
        %shift_right_logical3A_483 = arith.constant 4 : i32
        %shift_right_logical3A_484 = arith.shrui %and3A_482, %shift_right_logical3A_483 : i32
        %mul3A_485 = arith.constant 16 : i32
        %mul3A_486 = arith.muli %add3A_478, %mul3A_485 : i32
        %multiple_of3A_487 = tpu.assume_multiple %mul3A_486, 8 : i32
        %multiple_of3A_488 = tpu.assume_multiple %and3A_482, 8 : i32
        %dma_start3A = arith.constant 0 : i32
        %dma_start3A_489 = tpu.memref_slice %arg9[%multiple_of3A_488, %dma_start3A] : memref<128x768xf32, #tpu.memory_space<vmem>> -> memref<16x768xf32, #tpu.memory_space<vmem>>
        %dma_start3A_490 = tpu.memref_slice %arg8[%multiple_of3A_487] : memref<6432xi32, #tpu.memory_space<vmem>> -> memref<16xi32, #tpu.memory_space<vmem>>
        %dma_start3A_491 = arith.constant 0 : i32
        %dma_start3A_492 = arith.constant 0 : i32
        %dma_start3A_493 = tpu.memref_slice %arg4[%dma_start3A_491, %dma_start3A_492] : memref<30522x768xf32, #tpu.memory_space<hbm>> -> memref<30522x768xf32, #tpu.memory_space<hbm>>
        %dma_start3A_494 = tpu.memref_slice %arg11[%shift_right_logical3A_484] : memref<8x!tpu.dma_semaphore, #tpu.memory_space<semaphore_mem>> -> memref<1x!tpu.dma_semaphore, #tpu.memory_space<semaphore_mem>>
        %dma_start3A_495 = tpu.memref_squeeze %dma_start3A_494 : memref<1x!tpu.dma_semaphore, #tpu.memory_space<semaphore_mem>> -> memref<!tpu.dma_semaphore, #tpu.memory_space<semaphore_mem>>
        tpu.enqueue_indirect_dma source(%dma_start3A_493 : memref<30522x768xf32, #tpu.memory_space<hbm>>) target(%dma_start3A_489 : memref<16x768xf32, #tpu.memory_space<vmem>>) offsets(%dma_start3A_490 : memref<16xi32, #tpu.memory_space<vmem>>) semaphore(%dma_start3A_495 : memref<!tpu.dma_semaphore, #tpu.memory_space<semaphore_mem>>)
      } else {
      }
      %add3A_151 = arith.constant 1 : i32
      %add3A_152 = arith.addi %scan3A_79, %add3A_151 : i32
      %lt3A_153 = arith.cmpi slt, %add3A_152, %min3A_145 : i32
      %convert_element_type3A_154 = arith.extui %lt3A_153 : i1 to i32
      %cond3A_155 = arith.constant 0 : i32
      %cond3A_156 = arith.cmpi ne, %convert_element_type3A_154, %cond3A_155 : i32
      scf.if %cond3A_156 {
        %add3A_477 = arith.constant 1 : i32
        %add3A_478 = arith.addi %scan3A_79, %add3A_477 : i32
        %mul3A_479 = arith.constant 16 : i32
        %mul3A_480 = arith.muli %add3A_478, %mul3A_479 : i32
        %and3A_481 = arith.constant 127 : i32
        %and3A_482 = arith.andi %mul3A_480, %and3A_481 : i32
        %shift_right_logical3A_483 = arith.constant 4 : i32
        %shift_right_logical3A_484 = arith.shrui %and3A_482, %shift_right_logical3A_483 : i32
        %mul3A_485 = arith.constant 16 : i32
        %mul3A_486 = arith.muli %add3A_478, %mul3A_485 : i32
        %multiple_of3A_487 = tpu.assume_multiple %mul3A_486, 8 : i32
        %multiple_of3A_488 = tpu.assume_multiple %and3A_482, 8 : i32
        %dma_start3A = arith.constant 0 : i32
        %dma_start3A_489 = tpu.memref_slice %arg9[%multiple_of3A_488, %dma_start3A] : memref<128x768xf32, #tpu.memory_space<vmem>> -> memref<16x768xf32, #tpu.memory_space<vmem>>
        %dma_start3A_490 = tpu.memref_slice %arg8[%multiple_of3A_487] : memref<6432xi32, #tpu.memory_space<vmem>> -> memref<16xi32, #tpu.memory_space<vmem>>
        %dma_start3A_491 = arith.constant 0 : i32
        %dma_start3A_492 = arith.constant 0 : i32
        %dma_start3A_493 = tpu.memref_slice %arg4[%dma_start3A_491, %dma_start3A_492] : memref<30522x768xf32, #tpu.memory_space<hbm>> -> memref<30522x768xf32, #tpu.memory_space<hbm>>
        %dma_start3A_494 = tpu.memref_slice %arg11[%shift_right_logical3A_484] : memref<8x!tpu.dma_semaphore, #tpu.memory_space<semaphore_mem>> -> memref<1x!tpu.dma_semaphore, #tpu.memory_space<semaphore_mem>>
        %dma_start3A_495 = tpu.memref_squeeze %dma_start3A_494 : memref<1x!tpu.dma_semaphore, #tpu.memory_space<semaphore_mem>> -> memref<!tpu.dma_semaphore, #tpu.memory_space<semaphore_mem>>
        tpu.enqueue_indirect_dma source(%dma_start3A_493 : memref<30522x768xf32, #tpu.memory_space<hbm>>) target(%dma_start3A_489 : memref<16x768xf32, #tpu.memory_space<vmem>>) offsets(%dma_start3A_490 : memref<16xi32, #tpu.memory_space<vmem>>) semaphore(%dma_start3A_495 : memref<!tpu.dma_semaphore, #tpu.memory_space<semaphore_mem>>)
      } else {
      }
      %add3A_157 = arith.constant 2 : i32
      %add3A_158 = arith.addi %scan3A_79, %add3A_157 : i32
      %lt3A_159 = arith.cmpi slt, %add3A_158, %min3A_145 : i32
      %convert_element_type3A_160 = arith.extui %lt3A_159 : i1 to i32
      %cond3A_161 = arith.constant 0 : i32
      %cond3A_162 = arith.cmpi ne, %convert_element_type3A_160, %cond3A_161 : i32
      scf.if %cond3A_162 {
        %add3A_477 = arith.constant 2 : i32
        %add3A_478 = arith.addi %scan3A_79, %add3A_477 : i32
        %mul3A_479 = arith.constant 16 : i32
        %mul3A_480 = arith.muli %add3A_478, %mul3A_479 : i32
        %and3A_481 = arith.constant 127 : i32
        %and3A_482 = arith.andi %mul3A_480, %and3A_481 : i32
        %shift_right_logical3A_483 = arith.constant 4 : i32
        %shift_right_logical3A_484 = arith.shrui %and3A_482, %shift_right_logical3A_483 : i32
        %mul3A_485 = arith.constant 16 : i32
        %mul3A_486 = arith.muli %add3A_478, %mul3A_485 : i32
        %multiple_of3A_487 = tpu.assume_multiple %mul3A_486, 8 : i32
        %multiple_of3A_488 = tpu.assume_multiple %and3A_482, 8 : i32
        %dma_start3A = arith.constant 0 : i32
        %dma_start3A_489 = tpu.memref_slice %arg9[%multiple_of3A_488, %dma_start3A] : memref<128x768xf32, #tpu.memory_space<vmem>> -> memref<16x768xf32, #tpu.memory_space<vmem>>
        %dma_start3A_490 = tpu.memref_slice %arg8[%multiple_of3A_487] : memref<6432xi32, #tpu.memory_space<vmem>> -> memref<16xi32, #tpu.memory_space<vmem>>
        %dma_start3A_491 = arith.constant 0 : i32
        %dma_start3A_492 = arith.constant 0 : i32
        %dma_start3A_493 = tpu.memref_slice %arg4[%dma_start3A_491, %dma_start3A_492] : memref<30522x768xf32, #tpu.memory_space<hbm>> -> memref<30522x768xf32, #tpu.memory_space<hbm>>
        %dma_start3A_494 = tpu.memref_slice %arg11[%shift_right_logical3A_484] : memref<8x!tpu.dma_semaphore, #tpu.memory_space<semaphore_mem>> -> memref<1x!tpu.dma_semaphore, #tpu.memory_space<semaphore_mem>>
        %dma_start3A_495 = tpu.memref_squeeze %dma_start3A_494 : memref<1x!tpu.dma_semaphore, #tpu.memory_space<semaphore_mem>> -> memref<!tpu.dma_semaphore, #tpu.memory_space<semaphore_mem>>
        tpu.enqueue_indirect_dma source(%dma_start3A_493 : memref<30522x768xf32, #tpu.memory_space<hbm>>) target(%dma_start3A_489 : memref<16x768xf32, #tpu.memory_space<vmem>>) offsets(%dma_start3A_490 : memref<16xi32, #tpu.memory_space<vmem>>) semaphore(%dma_start3A_495 : memref<!tpu.dma_semaphore, #tpu.memory_space<semaphore_mem>>)
      } else {
      }
      %add3A_163 = arith.constant 3 : i32
      %add3A_164 = arith.addi %scan3A_79, %add3A_163 : i32
      %lt3A_165 = arith.cmpi slt, %add3A_164, %min3A_145 : i32
      %convert_element_type3A_166 = arith.extui %lt3A_165 : i1 to i32
      %cond3A_167 = arith.constant 0 : i32
      %cond3A_168 = arith.cmpi ne, %convert_element_type3A_166, %cond3A_167 : i32
      scf.if %cond3A_168 {
        %add3A_477 = arith.constant 3 : i32
        %add3A_478 = arith.addi %scan3A_79, %add3A_477 : i32
        %mul3A_479 = arith.constant 16 : i32
        %mul3A_480 = arith.muli %add3A_478, %mul3A_479 : i32
        %and3A_481 = arith.constant 127 : i32
        %and3A_482 = arith.andi %mul3A_480, %and3A_481 : i32
        %shift_right_logical3A_483 = arith.constant 4 : i32
        %shift_right_logical3A_484 = arith.shrui %and3A_482, %shift_right_logical3A_483 : i32
        %mul3A_485 = arith.constant 16 : i32
        %mul3A_486 = arith.muli %add3A_478, %mul3A_485 : i32
        %multiple_of3A_487 = tpu.assume_multiple %mul3A_486, 8 : i32
        %multiple_of3A_488 = tpu.assume_multiple %and3A_482, 8 : i32
        %dma_start3A = arith.constant 0 : i32
        %dma_start3A_489 = tpu.memref_slice %arg9[%multiple_of3A_488, %dma_start3A] : memref<128x768xf32, #tpu.memory_space<vmem>> -> memref<16x768xf32, #tpu.memory_space<vmem>>
        %dma_start3A_490 = tpu.memref_slice %arg8[%multiple_of3A_487] : memref<6432xi32, #tpu.memory_space<vmem>> -> memref<16xi32, #tpu.memory_space<vmem>>
        %dma_start3A_491 = arith.constant 0 : i32
        %dma_start3A_492 = arith.constant 0 : i32
        %dma_start3A_493 = tpu.memref_slice %arg4[%dma_start3A_491, %dma_start3A_492] : memref<30522x768xf32, #tpu.memory_space<hbm>> -> memref<30522x768xf32, #tpu.memory_space<hbm>>
        %dma_start3A_494 = tpu.memref_slice %arg11[%shift_right_logical3A_484] : memref<8x!tpu.dma_semaphore, #tpu.memory_space<semaphore_mem>> -> memref<1x!tpu.dma_semaphore, #tpu.memory_space<semaphore_mem>>
        %dma_start3A_495 = tpu.memref_squeeze %dma_start3A_494 : memref<1x!tpu.dma_semaphore, #tpu.memory_space<semaphore_mem>> -> memref<!tpu.dma_semaphore, #tpu.memory_space<semaphore_mem>>
        tpu.enqueue_indirect_dma source(%dma_start3A_493 : memref<30522x768xf32, #tpu.memory_space<hbm>>) target(%dma_start3A_489 : memref<16x768xf32, #tpu.memory_space<vmem>>) offsets(%dma_start3A_490 : memref<16xi32, #tpu.memory_space<vmem>>) semaphore(%dma_start3A_495 : memref<!tpu.dma_semaphore, #tpu.memory_space<semaphore_mem>>)
      } else {
      }
      %add3A_169 = arith.constant 4 : i32
      %add3A_170 = arith.addi %scan3A_79, %add3A_169 : i32
      %lt3A_171 = arith.cmpi slt, %add3A_170, %min3A_145 : i32
      %convert_element_type3A_172 = arith.extui %lt3A_171 : i1 to i32
      %cond3A_173 = arith.constant 0 : i32
      %cond3A_174 = arith.cmpi ne, %convert_element_type3A_172, %cond3A_173 : i32
      scf.if %cond3A_174 {
        %add3A_477 = arith.constant 4 : i32
        %add3A_478 = arith.addi %scan3A_79, %add3A_477 : i32
        %mul3A_479 = arith.constant 16 : i32
        %mul3A_480 = arith.muli %add3A_478, %mul3A_479 : i32
        %and3A_481 = arith.constant 127 : i32
        %and3A_482 = arith.andi %mul3A_480, %and3A_481 : i32
        %shift_right_logical3A_483 = arith.constant 4 : i32
        %shift_right_logical3A_484 = arith.shrui %and3A_482, %shift_right_logical3A_483 : i32
        %mul3A_485 = arith.constant 16 : i32
        %mul3A_486 = arith.muli %add3A_478, %mul3A_485 : i32
        %multiple_of3A_487 = tpu.assume_multiple %mul3A_486, 8 : i32
        %multiple_of3A_488 = tpu.assume_multiple %and3A_482, 8 : i32
        %dma_start3A = arith.constant 0 : i32
        %dma_start3A_489 = tpu.memref_slice %arg9[%multiple_of3A_488, %dma_start3A] : memref<128x768xf32, #tpu.memory_space<vmem>> -> memref<16x768xf32, #tpu.memory_space<vmem>>
        %dma_start3A_490 = tpu.memref_slice %arg8[%multiple_of3A_487] : memref<6432xi32, #tpu.memory_space<vmem>> -> memref<16xi32, #tpu.memory_space<vmem>>
        %dma_start3A_491 = arith.constant 0 : i32
        %dma_start3A_492 = arith.constant 0 : i32
        %dma_start3A_493 = tpu.memref_slice %arg4[%dma_start3A_491, %dma_start3A_492] : memref<30522x768xf32, #tpu.memory_space<hbm>> -> memref<30522x768xf32, #tpu.memory_space<hbm>>
        %dma_start3A_494 = tpu.memref_slice %arg11[%shift_right_logical3A_484] : memref<8x!tpu.dma_semaphore, #tpu.memory_space<semaphore_mem>> -> memref<1x!tpu.dma_semaphore, #tpu.memory_space<semaphore_mem>>
        %dma_start3A_495 = tpu.memref_squeeze %dma_start3A_494 : memref<1x!tpu.dma_semaphore, #tpu.memory_space<semaphore_mem>> -> memref<!tpu.dma_semaphore, #tpu.memory_space<semaphore_mem>>
        tpu.enqueue_indirect_dma source(%dma_start3A_493 : memref<30522x768xf32, #tpu.memory_space<hbm>>) target(%dma_start3A_489 : memref<16x768xf32, #tpu.memory_space<vmem>>) offsets(%dma_start3A_490 : memref<16xi32, #tpu.memory_space<vmem>>) semaphore(%dma_start3A_495 : memref<!tpu.dma_semaphore, #tpu.memory_space<semaphore_mem>>)
      } else {
      }
      %max3A_175 = arith.maxsi %scan3A_79, %min3A_145 : i32
      %and3A_176 = arith.constant 7 : i32
      %and3A_177 = arith.andi %scan3A_76, %and3A_176 : i32
      %max3A_178 = arith.constant 1 : i32
      %max3A_179 = arith.maxsi %squeeze3A, %max3A_178 : i32
      %broadcast_in_dim3A_180 = vector.broadcast %max3A_179 : i32 to vector<16xi32>
      %convert_element_type3A_181 = arith.sitofp %broadcast_in_dim3A_180 : vector<16xi32> to vector<16xf32>
      %div3A = arith.constant 1.000000e+00 : f32
      %div3A_182 = vector.broadcast %div3A : f32 to vector<16xf32>
      %div3A_183 = arith.divf %div3A_182, %convert_element_type3A_181 : vector<16xf32>
      %mul3A_184 = arith.mulf %while3A_139#1, %div3A_183 : vector<16xf32>
      %swap3A_185 = arith.index_cast %and3A_177 : i32 to index
      %swap3A_186 = arith.constant 0 : index
      %swap3A_187 = tpu.vector_load %arg10[%swap3A_185, %swap3A_186] {strides = array<i32>} : memref<8x768xf32, #tpu.memory_space<vmem>>, vector<1x16xf32>,
      %swap3A_188 = vector.shape_cast %swap3A_187 : vector<1x16xf32> to vector<16xf32>
      %swap3A_189 = vector.shape_cast %mul3A_184 : vector<16xf32> to vector<1x16xf32>
      tpu.vector_store %arg10[%swap3A_185, %swap3A_186], %swap3A_189 {strides = array<i32>} : memref<8x768xf32, #tpu.memory_space<vmem>>, vector<1x16xf32>,
      %mul3A_190 = arith.mulf %while3A_139#2, %div3A_183 : vector<16xf32>
      %swap3A_191 = arith.index_cast %and3A_177 : i32 to index
      %swap3A_192 = arith.constant 16 : index
      %swap3A_193 = tpu.vector_load %arg10[%swap3A_191, %swap3A_192] {strides = array<i32>} : memref<8x768xf32, #tpu.memory_space<vmem>>, vector<1x16xf32>,
      %swap3A_194 = vector.shape_cast %swap3A_193 : vector<1x16xf32> to vector<16xf32>
      %swap3A_195 = vector.shape_cast %mul3A_190 : vector<16xf32> to vector<1x16xf32>
      tpu.vector_store %arg10[%swap3A_191, %swap3A_192], %swap3A_195 {strides = array<i32>} : memref<8x768xf32, #tpu.memory_space<vmem>>, vector<1x16xf32>,
      %mul3A_196 = arith.mulf %while3A_139#3, %div3A_183 : vector<16xf32>
      %swap3A_197 = arith.index_cast %and3A_177 : i32 to index
      %swap3A_198 = arith.constant 32 : index
      %swap3A_199 = tpu.vector_load %arg10[%swap3A_197, %swap3A_198] {strides = array<i32>} : memref<8x768xf32, #tpu.memory_space<vmem>>, vector<1x16xf32>,
      %swap3A_200 = vector.shape_cast %swap3A_199 : vector<1x16xf32> to vector<16xf32>
      %swap3A_201 = vector.shape_cast %mul3A_196 : vector<16xf32> to vector<1x16xf32>
      tpu.vector_store %arg10[%swap3A_197, %swap3A_198], %swap3A_201 {strides = array<i32>} : memref<8x768xf32, #tpu.memory_space<vmem>>, vector<1x16xf32>,
      %mul3A_202 = arith.mulf %while3A_139#4, %div3A_183 : vector<16xf32>
      %swap3A_203 = arith.index_cast %and3A_177 : i32 to index
      %swap3A_204 = arith.constant 48 : index
      %swap3A_205 = tpu.vector_load %arg10[%swap3A_203, %swap3A_204] {strides = array<i32>} : memref<8x768xf32, #tpu.memory_space<vmem>>, vector<1x16xf32>,
      %swap3A_206 = vector.shape_cast %swap3A_205 : vector<1x16xf32> to vector<16xf32>
      %swap3A_207 = vector.shape_cast %mul3A_202 : vector<16xf32> to vector<1x16xf32>
      tpu.vector_store %arg10[%swap3A_203, %swap3A_204], %swap3A_207 {strides = array<i32>} : memref<8x768xf32, #tpu.memory_space<vmem>>, vector<1x16xf32>,
      %mul3A_208 = arith.mulf %while3A_139#5, %div3A_183 : vector<16xf32>
      %swap3A_209 = arith.index_cast %and3A_177 : i32 to index
      %swap3A_210 = arith.constant 64 : index
      %swap3A_211 = tpu.vector_load %arg10[%swap3A_209, %swap3A_210] {strides = array<i32>} : memref<8x768xf32, #tpu.memory_space<vmem>>, vector<1x16xf32>,
      %swap3A_212 = vector.shape_cast %swap3A_211 : vector<1x16xf32> to vector<16xf32>
      %swap3A_213 = vector.shape_cast %mul3A_208 : vector<16xf32> to vector<1x16xf32>
      tpu.vector_store %arg10[%swap3A_209, %swap3A_210], %swap3A_213 {strides = array<i32>} : memref<8x768xf32, #tpu.memory_space<vmem>>, vector<1x16xf32>,
      %mul3A_214 = arith.mulf %while3A_139#6, %div3A_183 : vector<16xf32>
      %swap3A_215 = arith.index_cast %and3A_177 : i32 to index
      %swap3A_216 = arith.constant 80 : index
      %swap3A_217 = tpu.vector_load %arg10[%swap3A_215, %swap3A_216] {strides = array<i32>} : memref<8x768xf32, #tpu.memory_space<vmem>>, vector<1x16xf32>,
      %swap3A_218 = vector.shape_cast %swap3A_217 : vector<1x16xf32> to vector<16xf32>
      %swap3A_219 = vector.shape_cast %mul3A_214 : vector<16xf32> to vector<1x16xf32>
      tpu.vector_store %arg10[%swap3A_215, %swap3A_216], %swap3A_219 {strides = array<i32>} : memref<8x768xf32, #tpu.memory_space<vmem>>, vector<1x16xf32>,
      %mul3A_220 = arith.mulf %while3A_139#7, %div3A_183 : vector<16xf32>
      %swap3A_221 = arith.index_cast %and3A_177 : i32 to index
      %swap3A_222 = arith.constant 96 : index
      %swap3A_223 = tpu.vector_load %arg10[%swap3A_221, %swap3A_222] {strides = array<i32>} : memref<8x768xf32, #tpu.memory_space<vmem>>, vector<1x16xf32>,
      %swap3A_224 = vector.shape_cast %swap3A_223 : vector<1x16xf32> to vector<16xf32>
      %swap3A_225 = vector.shape_cast %mul3A_220 : vector<16xf32> to vector<1x16xf32>
      tpu.vector_store %arg10[%swap3A_221, %swap3A_222], %swap3A_225 {strides = array<i32>} : memref<8x768xf32, #tpu.memory_space<vmem>>, vector<1x16xf32>,
      %mul3A_226 = arith.mulf %while3A_139#8, %div3A_183 : vector<16xf32>
      %swap3A_227 = arith.index_cast %and3A_177 : i32 to index
      %swap3A_228 = arith.constant 112 : index
      %swap3A_229 = tpu.vector_load %arg10[%swap3A_227, %swap3A_228] {strides = array<i32>} : memref<8x768xf32, #tpu.memory_space<vmem>>, vector<1x16xf32>,
      %swap3A_230 = vector.shape_cast %swap3A_229 : vector<1x16xf32> to vector<16xf32>
      %swap3A_231 = vector.shape_cast %mul3A_226 : vector<16xf32> to vector<1x16xf32>
      tpu.vector_store %arg10[%swap3A_227, %swap3A_228], %swap3A_231 {strides = array<i32>} : memref<8x768xf32, #tpu.memory_space<vmem>>, vector<1x16xf32>,
      %mul3A_232 = arith.mulf %while3A_139#9, %div3A_183 : vector<16xf32>
      %swap3A_233 = arith.index_cast %and3A_177 : i32 to index
      %swap3A_234 = arith.constant 128 : index
      %swap3A_235 = tpu.vector_load %arg10[%swap3A_233, %swap3A_234] {strides = array<i32>} : memref<8x768xf32, #tpu.memory_space<vmem>>, vector<1x16xf32>,
      %swap3A_236 = vector.shape_cast %swap3A_235 : vector<1x16xf32> to vector<16xf32>
      %swap3A_237 = vector.shape_cast %mul3A_232 : vector<16xf32> to vector<1x16xf32>
      tpu.vector_store %arg10[%swap3A_233, %swap3A_234], %swap3A_237 {strides = array<i32>} : memref<8x768xf32, #tpu.memory_space<vmem>>, vector<1x16xf32>,
      %mul3A_238 = arith.mulf %while3A_139#10, %div3A_183 : vector<16xf32>
      %swap3A_239 = arith.index_cast %and3A_177 : i32 to index
      %swap3A_240 = arith.constant 144 : index
      %swap3A_241 = tpu.vector_load %arg10[%swap3A_239, %swap3A_240] {strides = array<i32>} : memref<8x768xf32, #tpu.memory_space<vmem>>, vector<1x16xf32>,
      %swap3A_242 = vector.shape_cast %swap3A_241 : vector<1x16xf32> to vector<16xf32>
      %swap3A_243 = vector.shape_cast %mul3A_238 : vector<16xf32> to vector<1x16xf32>
      tpu.vector_store %arg10[%swap3A_239, %swap3A_240], %swap3A_243 {strides = array<i32>} : memref<8x768xf32, #tpu.memory_space<vmem>>, vector<1x16xf32>,
      %mul3A_244 = arith.mulf %while3A_139#11, %div3A_183 : vector<16xf32>
      %swap3A_245 = arith.index_cast %and3A_177 : i32 to index
      %swap3A_246 = arith.constant 160 : index
      %swap3A_247 = tpu.vector_load %arg10[%swap3A_245, %swap3A_246] {strides = array<i32>} : memref<8x768xf32, #tpu.memory_space<vmem>>, vector<1x16xf32>,
      %swap3A_248 = vector.shape_cast %swap3A_247 : vector<1x16xf32> to vector<16xf32>
      %swap3A_249 = vector.shape_cast %mul3A_244 : vector<16xf32> to vector<1x16xf32>
      tpu.vector_store %arg10[%swap3A_245, %swap3A_246], %swap3A_249 {strides = array<i32>} : memref<8x768xf32, #tpu.memory_space<vmem>>, vector<1x16xf32>,
      %mul3A_250 = arith.mulf %while3A_139#12, %div3A_183 : vector<16xf32>
      %swap3A_251 = arith.index_cast %and3A_177 : i32 to index
      %swap3A_252 = arith.constant 176 : index
      %swap3A_253 = tpu.vector_load %arg10[%swap3A_251, %swap3A_252] {strides = array<i32>} : memref<8x768xf32, #tpu.memory_space<vmem>>, vector<1x16xf32>,
      %swap3A_254 = vector.shape_cast %swap3A_253 : vector<1x16xf32> to vector<16xf32>
      %swap3A_255 = vector.shape_cast %mul3A_250 : vector<16xf32> to vector<1x16xf32>
      tpu.vector_store %arg10[%swap3A_251, %swap3A_252], %swap3A_255 {strides = array<i32>} : memref<8x768xf32, #tpu.memory_space<vmem>>, vector<1x16xf32>,
      %mul3A_256 = arith.mulf %while3A_139#13, %div3A_183 : vector<16xf32>
      %swap3A_257 = arith.index_cast %and3A_177 : i32 to index
      %swap3A_258 = arith.constant 192 : index
      %swap3A_259 = tpu.vector_load %arg10[%swap3A_257, %swap3A_258] {strides = array<i32>} : memref<8x768xf32, #tpu.memory_space<vmem>>, vector<1x16xf32>,
      %swap3A_260 = vector.shape_cast %swap3A_259 : vector<1x16xf32> to vector<16xf32>
      %swap3A_261 = vector.shape_cast %mul3A_256 : vector<16xf32> to vector<1x16xf32>
      tpu.vector_store %arg10[%swap3A_257, %swap3A_258], %swap3A_261 {strides = array<i32>} : memref<8x768xf32, #tpu.memory_space<vmem>>, vector<1x16xf32>,
      %mul3A_262 = arith.mulf %while3A_139#14, %div3A_183 : vector<16xf32>
      %swap3A_263 = arith.index_cast %and3A_177 : i32 to index
      %swap3A_264 = arith.constant 208 : index
      %swap3A_265 = tpu.vector_load %arg10[%swap3A_263, %swap3A_264] {strides = array<i32>} : memref<8x768xf32, #tpu.memory_space<vmem>>, vector<1x16xf32>,
      %swap3A_266 = vector.shape_cast %swap3A_265 : vector<1x16xf32> to vector<16xf32>
      %swap3A_267 = vector.shape_cast %mul3A_262 : vector<16xf32> to vector<1x16xf32>
      tpu.vector_store %arg10[%swap3A_263, %swap3A_264], %swap3A_267 {strides = array<i32>} : memref<8x768xf32, #tpu.memory_space<vmem>>, vector<1x16xf32>,
      %mul3A_268 = arith.mulf %while3A_139#15, %div3A_183 : vector<16xf32>
      %swap3A_269 = arith.index_cast %and3A_177 : i32 to index
      %swap3A_270 = arith.constant 224 : index
      %swap3A_271 = tpu.vector_load %arg10[%swap3A_269, %swap3A_270] {strides = array<i32>} : memref<8x768xf32, #tpu.memory_space<vmem>>, vector<1x16xf32>,
      %swap3A_272 = vector.shape_cast %swap3A_271 : vector<1x16xf32> to vector<16xf32>
      %swap3A_273 = vector.shape_cast %mul3A_268 : vector<16xf32> to vector<1x16xf32>
      tpu.vector_store %arg10[%swap3A_269, %swap3A_270], %swap3A_273 {strides = array<i32>} : memref<8x768xf32, #tpu.memory_space<vmem>>, vector<1x16xf32>,
      %mul3A_274 = arith.mulf %while3A_139#16, %div3A_183 : vector<16xf32>
      %swap3A_275 = arith.index_cast %and3A_177 : i32 to index
      %swap3A_276 = arith.constant 240 : index
      %swap3A_277 = tpu.vector_load %arg10[%swap3A_275, %swap3A_276] {strides = array<i32>} : memref<8x768xf32, #tpu.memory_space<vmem>>, vector<1x16xf32>,
      %swap3A_278 = vector.shape_cast %swap3A_277 : vector<1x16xf32> to vector<16xf32>
      %swap3A_279 = vector.shape_cast %mul3A_274 : vector<16xf32> to vector<1x16xf32>
      tpu.vector_store %arg10[%swap3A_275, %swap3A_276], %swap3A_279 {strides = array<i32>} : memref<8x768xf32, #tpu.memory_space<vmem>>, vector<1x16xf32>,
      %mul3A_280 = arith.mulf %while3A_139#17, %div3A_183 : vector<16xf32>
      %swap3A_281 = arith.index_cast %and3A_177 : i32 to index
      %swap3A_282 = arith.constant 256 : index
      %swap3A_283 = tpu.vector_load %arg10[%swap3A_281, %swap3A_282] {strides = array<i32>} : memref<8x768xf32, #tpu.memory_space<vmem>>, vector<1x16xf32>,
      %swap3A_284 = vector.shape_cast %swap3A_283 : vector<1x16xf32> to vector<16xf32>
      %swap3A_285 = vector.shape_cast %mul3A_280 : vector<16xf32> to vector<1x16xf32>
      tpu.vector_store %arg10[%swap3A_281, %swap3A_282], %swap3A_285 {strides = array<i32>} : memref<8x768xf32, #tpu.memory_space<vmem>>, vector<1x16xf32>,
      %mul3A_286 = arith.mulf %while3A_139#18, %div3A_183 : vector<16xf32>
      %swap3A_287 = arith.index_cast %and3A_177 : i32 to index
      %swap3A_288 = arith.constant 272 : index
      %swap3A_289 = tpu.vector_load %arg10[%swap3A_287, %swap3A_288] {strides = array<i32>} : memref<8x768xf32, #tpu.memory_space<vmem>>, vector<1x16xf32>,
      %swap3A_290 = vector.shape_cast %swap3A_289 : vector<1x16xf32> to vector<16xf32>
      %swap3A_291 = vector.shape_cast %mul3A_286 : vector<16xf32> to vector<1x16xf32>
      tpu.vector_store %arg10[%swap3A_287, %swap3A_288], %swap3A_291 {strides = array<i32>} : memref<8x768xf32, #tpu.memory_space<vmem>>, vector<1x16xf32>,
      %mul3A_292 = arith.mulf %while3A_139#19, %div3A_183 : vector<16xf32>
      %swap3A_293 = arith.index_cast %and3A_177 : i32 to index
      %swap3A_294 = arith.constant 288 : index
      %swap3A_295 = tpu.vector_load %arg10[%swap3A_293, %swap3A_294] {strides = array<i32>} : memref<8x768xf32, #tpu.memory_space<vmem>>, vector<1x16xf32>,
      %swap3A_296 = vector.shape_cast %swap3A_295 : vector<1x16xf32> to vector<16xf32>
      %swap3A_297 = vector.shape_cast %mul3A_292 : vector<16xf32> to vector<1x16xf32>
      tpu.vector_store %arg10[%swap3A_293, %swap3A_294], %swap3A_297 {strides = array<i32>} : memref<8x768xf32, #tpu.memory_space<vmem>>, vector<1x16xf32>,
      %mul3A_298 = arith.mulf %while3A_139#20, %div3A_183 : vector<16xf32>
      %swap3A_299 = arith.index_cast %and3A_177 : i32 to index
      %swap3A_300 = arith.constant 304 : index
      %swap3A_301 = tpu.vector_load %arg10[%swap3A_299, %swap3A_300] {strides = array<i32>} : memref<8x768xf32, #tpu.memory_space<vmem>>, vector<1x16xf32>,
      %swap3A_302 = vector.shape_cast %swap3A_301 : vector<1x16xf32> to vector<16xf32>
      %swap3A_303 = vector.shape_cast %mul3A_298 : vector<16xf32> to vector<1x16xf32>
      tpu.vector_store %arg10[%swap3A_299, %swap3A_300], %swap3A_303 {strides = array<i32>} : memref<8x768xf32, #tpu.memory_space<vmem>>, vector<1x16xf32>,
      %mul3A_304 = arith.mulf %while3A_139#21, %div3A_183 : vector<16xf32>
      %swap3A_305 = arith.index_cast %and3A_177 : i32 to index
      %swap3A_306 = arith.constant 320 : index
      %swap3A_307 = tpu.vector_load %arg10[%swap3A_305, %swap3A_306] {strides = array<i32>} : memref<8x768xf32, #tpu.memory_space<vmem>>, vector<1x16xf32>,
      %swap3A_308 = vector.shape_cast %swap3A_307 : vector<1x16xf32> to vector<16xf32>
      %swap3A_309 = vector.shape_cast %mul3A_304 : vector<16xf32> to vector<1x16xf32>
      tpu.vector_store %arg10[%swap3A_305, %swap3A_306], %swap3A_309 {strides = array<i32>} : memref<8x768xf32, #tpu.memory_space<vmem>>, vector<1x16xf32>,
      %mul3A_310 = arith.mulf %while3A_139#22, %div3A_183 : vector<16xf32>
      %swap3A_311 = arith.index_cast %and3A_177 : i32 to index
      %swap3A_312 = arith.constant 336 : index
      %swap3A_313 = tpu.vector_load %arg10[%swap3A_311, %swap3A_312] {strides = array<i32>} : memref<8x768xf32, #tpu.memory_space<vmem>>, vector<1x16xf32>,
      %swap3A_314 = vector.shape_cast %swap3A_313 : vector<1x16xf32> to vector<16xf32>
      %swap3A_315 = vector.shape_cast %mul3A_310 : vector<16xf32> to vector<1x16xf32>
      tpu.vector_store %arg10[%swap3A_311, %swap3A_312], %swap3A_315 {strides = array<i32>} : memref<8x768xf32, #tpu.memory_space<vmem>>, vector<1x16xf32>,
      %mul3A_316 = arith.mulf %while3A_139#23, %div3A_183 : vector<16xf32>
      %swap3A_317 = arith.index_cast %and3A_177 : i32 to index
      %swap3A_318 = arith.constant 352 : index
      %swap3A_319 = tpu.vector_load %arg10[%swap3A_317, %swap3A_318] {strides = array<i32>} : memref<8x768xf32, #tpu.memory_space<vmem>>, vector<1x16xf32>,
      %swap3A_320 = vector.shape_cast %swap3A_319 : vector<1x16xf32> to vector<16xf32>
      %swap3A_321 = vector.shape_cast %mul3A_316 : vector<16xf32> to vector<1x16xf32>
      tpu.vector_store %arg10[%swap3A_317, %swap3A_318], %swap3A_321 {strides = array<i32>} : memref<8x768xf32, #tpu.memory_space<vmem>>, vector<1x16xf32>,
      %mul3A_322 = arith.mulf %while3A_139#24, %div3A_183 : vector<16xf32>
      %swap3A_323 = arith.index_cast %and3A_177 : i32 to index
      %swap3A_324 = arith.constant 368 : index
      %swap3A_325 = tpu.vector_load %arg10[%swap3A_323, %swap3A_324] {strides = array<i32>} : memref<8x768xf32, #tpu.memory_space<vmem>>, vector<1x16xf32>,
      %swap3A_326 = vector.shape_cast %swap3A_325 : vector<1x16xf32> to vector<16xf32>
      %swap3A_327 = vector.shape_cast %mul3A_322 : vector<16xf32> to vector<1x16xf32>
      tpu.vector_store %arg10[%swap3A_323, %swap3A_324], %swap3A_327 {strides = array<i32>} : memref<8x768xf32, #tpu.memory_space<vmem>>, vector<1x16xf32>,
      %mul3A_328 = arith.mulf %while3A_139#25, %div3A_183 : vector<16xf32>
      %swap3A_329 = arith.index_cast %and3A_177 : i32 to index
      %swap3A_330 = arith.constant 384 : index
      %swap3A_331 = tpu.vector_load %arg10[%swap3A_329, %swap3A_330] {strides = array<i32>} : memref<8x768xf32, #tpu.memory_space<vmem>>, vector<1x16xf32>,
      %swap3A_332 = vector.shape_cast %swap3A_331 : vector<1x16xf32> to vector<16xf32>
      %swap3A_333 = vector.shape_cast %mul3A_328 : vector<16xf32> to vector<1x16xf32>
      tpu.vector_store %arg10[%swap3A_329, %swap3A_330], %swap3A_333 {strides = array<i32>} : memref<8x768xf32, #tpu.memory_space<vmem>>, vector<1x16xf32>,
      %mul3A_334 = arith.mulf %while3A_139#26, %div3A_183 : vector<16xf32>
      %swap3A_335 = arith.index_cast %and3A_177 : i32 to index
      %swap3A_336 = arith.constant 400 : index
      %swap3A_337 = tpu.vector_load %arg10[%swap3A_335, %swap3A_336] {strides = array<i32>} : memref<8x768xf32, #tpu.memory_space<vmem>>, vector<1x16xf32>,
      %swap3A_338 = vector.shape_cast %swap3A_337 : vector<1x16xf32> to vector<16xf32>
      %swap3A_339 = vector.shape_cast %mul3A_334 : vector<16xf32> to vector<1x16xf32>
      tpu.vector_store %arg10[%swap3A_335, %swap3A_336], %swap3A_339 {strides = array<i32>} : memref<8x768xf32, #tpu.memory_space<vmem>>, vector<1x16xf32>,
      %mul3A_340 = arith.mulf %while3A_139#27, %div3A_183 : vector<16xf32>
      %swap3A_341 = arith.index_cast %and3A_177 : i32 to index
      %swap3A_342 = arith.constant 416 : index
      %swap3A_343 = tpu.vector_load %arg10[%swap3A_341, %swap3A_342] {strides = array<i32>} : memref<8x768xf32, #tpu.memory_space<vmem>>, vector<1x16xf32>,
      %swap3A_344 = vector.shape_cast %swap3A_343 : vector<1x16xf32> to vector<16xf32>
      %swap3A_345 = vector.shape_cast %mul3A_340 : vector<16xf32> to vector<1x16xf32>
      tpu.vector_store %arg10[%swap3A_341, %swap3A_342], %swap3A_345 {strides = array<i32>} : memref<8x768xf32, #tpu.memory_space<vmem>>, vector<1x16xf32>,
      %mul3A_346 = arith.mulf %while3A_139#28, %div3A_183 : vector<16xf32>
      %swap3A_347 = arith.index_cast %and3A_177 : i32 to index
      %swap3A_348 = arith.constant 432 : index
      %swap3A_349 = tpu.vector_load %arg10[%swap3A_347, %swap3A_348] {strides = array<i32>} : memref<8x768xf32, #tpu.memory_space<vmem>>, vector<1x16xf32>,
      %swap3A_350 = vector.shape_cast %swap3A_349 : vector<1x16xf32> to vector<16xf32>
      %swap3A_351 = vector.shape_cast %mul3A_346 : vector<16xf32> to vector<1x16xf32>
      tpu.vector_store %arg10[%swap3A_347, %swap3A_348], %swap3A_351 {strides = array<i32>} : memref<8x768xf32, #tpu.memory_space<vmem>>, vector<1x16xf32>,
      %mul3A_352 = arith.mulf %while3A_139#29, %div3A_183 : vector<16xf32>
      %swap3A_353 = arith.index_cast %and3A_177 : i32 to index
      %swap3A_354 = arith.constant 448 : index
      %swap3A_355 = tpu.vector_load %arg10[%swap3A_353, %swap3A_354] {strides = array<i32>} : memref<8x768xf32, #tpu.memory_space<vmem>>, vector<1x16xf32>,
      %swap3A_356 = vector.shape_cast %swap3A_355 : vector<1x16xf32> to vector<16xf32>
      %swap3A_357 = vector.shape_cast %mul3A_352 : vector<16xf32> to vector<1x16xf32>
      tpu.vector_store %arg10[%swap3A_353, %swap3A_354], %swap3A_357 {strides = array<i32>} : memref<8x768xf32, #tpu.memory_space<vmem>>, vector<1x16xf32>,
      %mul3A_358 = arith.mulf %while3A_139#30, %div3A_183 : vector<16xf32>
      %swap3A_359 = arith.index_cast %and3A_177 : i32 to index
      %swap3A_360 = arith.constant 464 : index
      %swap3A_361 = tpu.vector_load %arg10[%swap3A_359, %swap3A_360] {strides = array<i32>} : memref<8x768xf32, #tpu.memory_space<vmem>>, vector<1x16xf32>,
      %swap3A_362 = vector.shape_cast %swap3A_361 : vector<1x16xf32> to vector<16xf32>
      %swap3A_363 = vector.shape_cast %mul3A_358 : vector<16xf32> to vector<1x16xf32>
      tpu.vector_store %arg10[%swap3A_359, %swap3A_360], %swap3A_363 {strides = array<i32>} : memref<8x768xf32, #tpu.memory_space<vmem>>, vector<1x16xf32>,
      %mul3A_364 = arith.mulf %while3A_139#31, %div3A_183 : vector<16xf32>
      %swap3A_365 = arith.index_cast %and3A_177 : i32 to index
      %swap3A_366 = arith.constant 480 : index
      %swap3A_367 = tpu.vector_load %arg10[%swap3A_365, %swap3A_366] {strides = array<i32>} : memref<8x768xf32, #tpu.memory_space<vmem>>, vector<1x16xf32>,
      %swap3A_368 = vector.shape_cast %swap3A_367 : vector<1x16xf32> to vector<16xf32>
      %swap3A_369 = vector.shape_cast %mul3A_364 : vector<16xf32> to vector<1x16xf32>
      tpu.vector_store %arg10[%swap3A_365, %swap3A_366], %swap3A_369 {strides = array<i32>} : memref<8x768xf32, #tpu.memory_space<vmem>>, vector<1x16xf32>,
      %mul3A_370 = arith.mulf %while3A_139#32, %div3A_183 : vector<16xf32>
      %swap3A_371 = arith.index_cast %and3A_177 : i32 to index
      %swap3A_372 = arith.constant 496 : index
      %swap3A_373 = tpu.vector_load %arg10[%swap3A_371, %swap3A_372] {strides = array<i32>} : memref<8x768xf32, #tpu.memory_space<vmem>>, vector<1x16xf32>,
      %swap3A_374 = vector.shape_cast %swap3A_373 : vector<1x16xf32> to vector<16xf32>
      %swap3A_375 = vector.shape_cast %mul3A_370 : vector<16xf32> to vector<1x16xf32>
      tpu.vector_store %arg10[%swap3A_371, %swap3A_372], %swap3A_375 {strides = array<i32>} : memref<8x768xf32, #tpu.memory_space<vmem>>, vector<1x16xf32>,
      %mul3A_376 = arith.mulf %while3A_139#33, %div3A_183 : vector<16xf32>
      %swap3A_377 = arith.index_cast %and3A_177 : i32 to index
      %swap3A_378 = arith.constant 512 : index
      %swap3A_379 = tpu.vector_load %arg10[%swap3A_377, %swap3A_378] {strides = array<i32>} : memref<8x768xf32, #tpu.memory_space<vmem>>, vector<1x16xf32>,
      %swap3A_380 = vector.shape_cast %swap3A_379 : vector<1x16xf32> to vector<16xf32>
      %swap3A_381 = vector.shape_cast %mul3A_376 : vector<16xf32> to vector<1x16xf32>
      tpu.vector_store %arg10[%swap3A_377, %swap3A_378], %swap3A_381 {strides = array<i32>} : memref<8x768xf32, #tpu.memory_space<vmem>>, vector<1x16xf32>,
      %mul3A_382 = arith.mulf %while3A_139#34, %div3A_183 : vector<16xf32>
      %swap3A_383 = arith.index_cast %and3A_177 : i32 to index
      %swap3A_384 = arith.constant 528 : index
      %swap3A_385 = tpu.vector_load %arg10[%swap3A_383, %swap3A_384] {strides = array<i32>} : memref<8x768xf32, #tpu.memory_space<vmem>>, vector<1x16xf32>,
      %swap3A_386 = vector.shape_cast %swap3A_385 : vector<1x16xf32> to vector<16xf32>
      %swap3A_387 = vector.shape_cast %mul3A_382 : vector<16xf32> to vector<1x16xf32>
      tpu.vector_store %arg10[%swap3A_383, %swap3A_384], %swap3A_387 {strides = array<i32>} : memref<8x768xf32, #tpu.memory_space<vmem>>, vector<1x16xf32>,
      %mul3A_388 = arith.mulf %while3A_139#35, %div3A_183 : vector<16xf32>
      %swap3A_389 = arith.index_cast %and3A_177 : i32 to index
      %swap3A_390 = arith.constant 544 : index
      %swap3A_391 = tpu.vector_load %arg10[%swap3A_389, %swap3A_390] {strides = array<i32>} : memref<8x768xf32, #tpu.memory_space<vmem>>, vector<1x16xf32>,
      %swap3A_392 = vector.shape_cast %swap3A_391 : vector<1x16xf32> to vector<16xf32>
      %swap3A_393 = vector.shape_cast %mul3A_388 : vector<16xf32> to vector<1x16xf32>
      tpu.vector_store %arg10[%swap3A_389, %swap3A_390], %swap3A_393 {strides = array<i32>} : memref<8x768xf32, #tpu.memory_space<vmem>>, vector<1x16xf32>,
      %mul3A_394 = arith.mulf %while3A_139#36, %div3A_183 : vector<16xf32>
      %swap3A_395 = arith.index_cast %and3A_177 : i32 to index
      %swap3A_396 = arith.constant 560 : index
      %swap3A_397 = tpu.vector_load %arg10[%swap3A_395, %swap3A_396] {strides = array<i32>} : memref<8x768xf32, #tpu.memory_space<vmem>>, vector<1x16xf32>,
      %swap3A_398 = vector.shape_cast %swap3A_397 : vector<1x16xf32> to vector<16xf32>
      %swap3A_399 = vector.shape_cast %mul3A_394 : vector<16xf32> to vector<1x16xf32>
      tpu.vector_store %arg10[%swap3A_395, %swap3A_396], %swap3A_399 {strides = array<i32>} : memref<8x768xf32, #tpu.memory_space<vmem>>, vector<1x16xf32>,
      %mul3A_400 = arith.mulf %while3A_139#37, %div3A_183 : vector<16xf32>
      %swap3A_401 = arith.index_cast %and3A_177 : i32 to index
      %swap3A_402 = arith.constant 576 : index
      %swap3A_403 = tpu.vector_load %arg10[%swap3A_401, %swap3A_402] {strides = array<i32>} : memref<8x768xf32, #tpu.memory_space<vmem>>, vector<1x16xf32>,
      %swap3A_404 = vector.shape_cast %swap3A_403 : vector<1x16xf32> to vector<16xf32>
      %swap3A_405 = vector.shape_cast %mul3A_400 : vector<16xf32> to vector<1x16xf32>
      tpu.vector_store %arg10[%swap3A_401, %swap3A_402], %swap3A_405 {strides = array<i32>} : memref<8x768xf32, #tpu.memory_space<vmem>>, vector<1x16xf32>,
      %mul3A_406 = arith.mulf %while3A_139#38, %div3A_183 : vector<16xf32>
      %swap3A_407 = arith.index_cast %and3A_177 : i32 to index
      %swap3A_408 = arith.constant 592 : index
      %swap3A_409 = tpu.vector_load %arg10[%swap3A_407, %swap3A_408] {strides = array<i32>} : memref<8x768xf32, #tpu.memory_space<vmem>>, vector<1x16xf32>,
      %swap3A_410 = vector.shape_cast %swap3A_409 : vector<1x16xf32> to vector<16xf32>
      %swap3A_411 = vector.shape_cast %mul3A_406 : vector<16xf32> to vector<1x16xf32>
      tpu.vector_store %arg10[%swap3A_407, %swap3A_408], %swap3A_411 {strides = array<i32>} : memref<8x768xf32, #tpu.memory_space<vmem>>, vector<1x16xf32>,
      %mul3A_412 = arith.mulf %while3A_139#39, %div3A_183 : vector<16xf32>
      %swap3A_413 = arith.index_cast %and3A_177 : i32 to index
      %swap3A_414 = arith.constant 608 : index
      %swap3A_415 = tpu.vector_load %arg10[%swap3A_413, %swap3A_414] {strides = array<i32>} : memref<8x768xf32, #tpu.memory_space<vmem>>, vector<1x16xf32>,
      %swap3A_416 = vector.shape_cast %swap3A_415 : vector<1x16xf32> to vector<16xf32>
      %swap3A_417 = vector.shape_cast %mul3A_412 : vector<16xf32> to vector<1x16xf32>
      tpu.vector_store %arg10[%swap3A_413, %swap3A_414], %swap3A_417 {strides = array<i32>} : memref<8x768xf32, #tpu.memory_space<vmem>>, vector<1x16xf32>,
      %mul3A_418 = arith.mulf %while3A_139#40, %div3A_183 : vector<16xf32>
      %swap3A_419 = arith.index_cast %and3A_177 : i32 to index
      %swap3A_420 = arith.constant 624 : index
      %swap3A_421 = tpu.vector_load %arg10[%swap3A_419, %swap3A_420] {strides = array<i32>} : memref<8x768xf32, #tpu.memory_space<vmem>>, vector<1x16xf32>,
      %swap3A_422 = vector.shape_cast %swap3A_421 : vector<1x16xf32> to vector<16xf32>
      %swap3A_423 = vector.shape_cast %mul3A_418 : vector<16xf32> to vector<1x16xf32>
      tpu.vector_store %arg10[%swap3A_419, %swap3A_420], %swap3A_423 {strides = array<i32>} : memref<8x768xf32, #tpu.memory_space<vmem>>, vector<1x16xf32>,
      %mul3A_424 = arith.mulf %while3A_139#41, %div3A_183 : vector<16xf32>
      %swap3A_425 = arith.index_cast %and3A_177 : i32 to index
      %swap3A_426 = arith.constant 640 : index
      %swap3A_427 = tpu.vector_load %arg10[%swap3A_425, %swap3A_426] {strides = array<i32>} : memref<8x768xf32, #tpu.memory_space<vmem>>, vector<1x16xf32>,
      %swap3A_428 = vector.shape_cast %swap3A_427 : vector<1x16xf32> to vector<16xf32>
      %swap3A_429 = vector.shape_cast %mul3A_424 : vector<16xf32> to vector<1x16xf32>
      tpu.vector_store %arg10[%swap3A_425, %swap3A_426], %swap3A_429 {strides = array<i32>} : memref<8x768xf32, #tpu.memory_space<vmem>>, vector<1x16xf32>,
      %mul3A_430 = arith.mulf %while3A_139#42, %div3A_183 : vector<16xf32>
      %swap3A_431 = arith.index_cast %and3A_177 : i32 to index
      %swap3A_432 = arith.constant 656 : index
      %swap3A_433 = tpu.vector_load %arg10[%swap3A_431, %swap3A_432] {strides = array<i32>} : memref<8x768xf32, #tpu.memory_space<vmem>>, vector<1x16xf32>,
      %swap3A_434 = vector.shape_cast %swap3A_433 : vector<1x16xf32> to vector<16xf32>
      %swap3A_435 = vector.shape_cast %mul3A_430 : vector<16xf32> to vector<1x16xf32>
      tpu.vector_store %arg10[%swap3A_431, %swap3A_432], %swap3A_435 {strides = array<i32>} : memref<8x768xf32, #tpu.memory_space<vmem>>, vector<1x16xf32>,
      %mul3A_436 = arith.mulf %while3A_139#43, %div3A_183 : vector<16xf32>
      %swap3A_437 = arith.index_cast %and3A_177 : i32 to index
      %swap3A_438 = arith.constant 672 : index
      %swap3A_439 = tpu.vector_load %arg10[%swap3A_437, %swap3A_438] {strides = array<i32>} : memref<8x768xf32, #tpu.memory_space<vmem>>, vector<1x16xf32>,
      %swap3A_440 = vector.shape_cast %swap3A_439 : vector<1x16xf32> to vector<16xf32>
      %swap3A_441 = vector.shape_cast %mul3A_436 : vector<16xf32> to vector<1x16xf32>
      tpu.vector_store %arg10[%swap3A_437, %swap3A_438], %swap3A_441 {strides = array<i32>} : memref<8x768xf32, #tpu.memory_space<vmem>>, vector<1x16xf32>,
      %mul3A_442 = arith.mulf %while3A_139#44, %div3A_183 : vector<16xf32>
      %swap3A_443 = arith.index_cast %and3A_177 : i32 to index
      %swap3A_444 = arith.constant 688 : index
      %swap3A_445 = tpu.vector_load %arg10[%swap3A_443, %swap3A_444] {strides = array<i32>} : memref<8x768xf32, #tpu.memory_space<vmem>>, vector<1x16xf32>,
      %swap3A_446 = vector.shape_cast %swap3A_445 : vector<1x16xf32> to vector<16xf32>
      %swap3A_447 = vector.shape_cast %mul3A_442 : vector<16xf32> to vector<1x16xf32>
      tpu.vector_store %arg10[%swap3A_443, %swap3A_444], %swap3A_447 {strides = array<i32>} : memref<8x768xf32, #tpu.memory_space<vmem>>, vector<1x16xf32>,
      %mul3A_448 = arith.mulf %while3A_139#45, %div3A_183 : vector<16xf32>
      %swap3A_449 = arith.index_cast %and3A_177 : i32 to index
      %swap3A_450 = arith.constant 704 : index
      %swap3A_451 = tpu.vector_load %arg10[%swap3A_449, %swap3A_450] {strides = array<i32>} : memref<8x768xf32, #tpu.memory_space<vmem>>, vector<1x16xf32>,
      %swap3A_452 = vector.shape_cast %swap3A_451 : vector<1x16xf32> to vector<16xf32>
      %swap3A_453 = vector.shape_cast %mul3A_448 : vector<16xf32> to vector<1x16xf32>
      tpu.vector_store %arg10[%swap3A_449, %swap3A_450], %swap3A_453 {strides = array<i32>} : memref<8x768xf32, #tpu.memory_space<vmem>>, vector<1x16xf32>,
      %mul3A_454 = arith.mulf %while3A_139#46, %div3A_183 : vector<16xf32>
      %swap3A_455 = arith.index_cast %and3A_177 : i32 to index
      %swap3A_456 = arith.constant 720 : index
      %swap3A_457 = tpu.vector_load %arg10[%swap3A_455, %swap3A_456] {strides = array<i32>} : memref<8x768xf32, #tpu.memory_space<vmem>>, vector<1x16xf32>,
      %swap3A_458 = vector.shape_cast %swap3A_457 : vector<1x16xf32> to vector<16xf32>
      %swap3A_459 = vector.shape_cast %mul3A_454 : vector<16xf32> to vector<1x16xf32>
      tpu.vector_store %arg10[%swap3A_455, %swap3A_456], %swap3A_459 {strides = array<i32>} : memref<8x768xf32, #tpu.memory_space<vmem>>, vector<1x16xf32>,
      %mul3A_460 = arith.mulf %while3A_139#47, %div3A_183 : vector<16xf32>
      %swap3A_461 = arith.index_cast %and3A_177 : i32 to index
      %swap3A_462 = arith.constant 736 : index
      %swap3A_463 = tpu.vector_load %arg10[%swap3A_461, %swap3A_462] {strides = array<i32>} : memref<8x768xf32, #tpu.memory_space<vmem>>, vector<1x16xf32>,
      %swap3A_464 = vector.shape_cast %swap3A_463 : vector<1x16xf32> to vector<16xf32>
      %swap3A_465 = vector.shape_cast %mul3A_460 : vector<16xf32> to vector<1x16xf32>
      tpu.vector_store %arg10[%swap3A_461, %swap3A_462], %swap3A_465 {strides = array<i32>} : memref<8x768xf32, #tpu.memory_space<vmem>>, vector<1x16xf32>,
      %mul3A_466 = arith.mulf %while3A_139#48, %div3A_183 : vector<16xf32>
      %swap3A_467 = arith.index_cast %and3A_177 : i32 to index
      %swap3A_468 = arith.constant 752 : index
      %swap3A_469 = tpu.vector_load %arg10[%swap3A_467, %swap3A_468] {strides = array<i32>} : memref<8x768xf32, #tpu.memory_space<vmem>>, vector<1x16xf32>,
      %swap3A_470 = vector.shape_cast %swap3A_469 : vector<1x16xf32> to vector<16xf32>
      %swap3A_471 = vector.shape_cast %mul3A_466 : vector<16xf32> to vector<1x16xf32>
      tpu.vector_store %arg10[%swap3A_467, %swap3A_468], %swap3A_471 {strides = array<i32>} : memref<8x768xf32, #tpu.memory_space<vmem>>, vector<1x16xf32>,
      %eq3A_472 = arith.constant 7 : i32
      %eq3A_473 = arith.cmpi eq, %and3A_177, %eq3A_472 : i32
      %convert_element_type3A_474 = arith.extui %eq3A_473 : i1 to i32
      %cond3A_475 = arith.constant 0 : i32
      %cond3A_476 = arith.cmpi ne, %convert_element_type3A_474, %cond3A_475 : i32
      scf.if %cond3A_476 {
        %add3A_477 = arith.addi %multiple_of3A, %scan3A_76 : i32
        %sub3A_478 = arith.constant 7 : i32
        %sub3A_479 = arith.subi %add3A_477, %sub3A_478 : i32
        %multiple_of3A_480 = tpu.assume_multiple %sub3A_479, 8 : i32
        %dma_start3A = arith.constant 0 : i32
        %dma_start3A_481 = tpu.memref_slice %arg5[%multiple_of3A_480, %dma_start3A] : memref<4096x768xf32, #tpu.memory_space<hbm>> -> memref<8x768xf32, #tpu.memory_space<hbm>>
        %dma_start3A_482 = arith.constant 0 : i32
        %dma_start3A_483 = tpu.memref_slice %arg5[%multiple_of3A_480, %dma_start3A_482] : memref<4096x768xf32, #tpu.memory_space<hbm>> -> memref<8x768xf32, #tpu.memory_space<hbm>>
        tpu.enqueue_dma source(%arg10 : memref<8x768xf32, #tpu.memory_space<vmem>>) target(%dma_start3A_483 : memref<8x768xf32, #tpu.memory_space<hbm>>) target_semaphore(%arg12 : memref<!tpu.dma_semaphore, #tpu.memory_space<semaphore_mem>>)
      } else {
      }
      scf.yield %add3A_140, %max3A, %max3A_175 : i32, i32, i32
    }
    %scan3A_70 = arith.constant 128 : i32
    %dma_wait3A = arith.constant 0 : i32
    %dma_wait3A_71 = arith.constant 0 : i32
    %dma_wait3A_72 = tpu.memref_slice %arg5[%dma_wait3A, %dma_wait3A_71] : memref<4096x768xf32, #tpu.memory_space<hbm>> -> memref<8x768xf32, #tpu.memory_space<hbm>>
    %dma_wait3A_73 = arith.constant 0 : i32
    %dma_wait3A_74 = arith.constant 0 : i32
    %dma_wait3A_75 = tpu.memref_slice %arg5[%dma_wait3A_73, %dma_wait3A_74] : memref<4096x768xf32, #tpu.memory_space<hbm>> -> memref<8x768xf32, #tpu.memory_space<hbm>>
    tpu.wait_dma2 semaphore(%arg12 : memref<!tpu.dma_semaphore, #tpu.memory_space<semaphore_mem>>) src(%arg10 : memref<8x768xf32, #tpu.memory_space<vmem>>) dst(%dma_wait3A_75 : memref<8x768xf32, #tpu.memory_space<hbm>>)
    return
  }
}

</mosaic_0001>

<sc_bundles>
// kernel: _run.3.cloned.1.call-start
scs
__scs_entry_jumppad:
0x0: {  	(pc) =	sbr.rel $0x88, $3  }
0x1: {  	(tag) =	ssettag $0x0;
	lr =	simm.s32 $0x1  }
0x2: {  	[smem:$0x3F9E] =	sst lr;
	_ =	strace $0xD0000000  }
0x3: {  	_ = 	snop  }
0x4: {  	_ = 	snop  }
0x5: {  	_ = 	snop  }
0x6: {  	_ = 	snop  }
0x7: {  	_ = 	snop  }
__scs_overlays_trampoline_lowered:
0x8: {  	[smem:$0x3FAD] =	sst s0  }
0x9: {  	[smem:$0x3FAE] =	sst s1  }
0xa: {  	[smem:$0x3FAF] =	sst s2  }
0xb: {  	[smem:$0x3FB0] =	sst s3  }
0xc: {  	[smem:$0x3FB1] =	sst s4  }
0xd: {  	[smem:$0x3FB2] =	sst s5  }
0xe: {  	[smem:$0x3FB3] =	sst s6  }
0xf: {  	[smem:$0x3FB4] =	sst s7  }
0x10: {  	[smem:$0x3FB5] =	sst s8  }
0x11: {  	[smem:$0x3FB6] =	sst s9;
	s0 =	simm.s32 @!p0 $0x0  }
0x12: {  	s1 =	sld [smem:$0x3F9C];
	s0 =	simm.s32 @p0 $0x1  }
0x13: {  	[smem:$0x3FB7] =	sst s0;
	s0 =	simm.s32 @!p1 $0x0  }
0x14: {  	s2 =	sld [smem:$0x3F9B];
	s0 =	simm.s32 @p1 $0x1  }
0x15: {  	[smem:$0x3FB8] =	sst s0;
	s0 =	simm.s32 @!p2 $0x0  }
0x16: {  	s3 =	sld [smem:$0x3FDB];
	s0 =	simm.s32 @p2 $0x1  }
0x17: {  	s4 =	simm.s32 $0x1BF5;
	[smem:$0x3FBA] =	sst s0  }
0x18: {  	s0 =	sld [smem:$0x3F9D];
	_ =	swait.ge [sflag:s4], $0x0  }
0x19: {  	s7 =	sld [smem:$0x3F9E]  }
0x1a: {  	s8 =	sadd.s32 $0xFFFFE003, lr  }
0x1b: {  	s9 =	sadd.s32 $0xFFFFFEF7, lr;
	s5 =	simm.s32 $0xFFFFFFFF;
	p2 =	slt.u32 s8, $0xFFFFF086  }
0x1c: {  	p1 =	slt.u32 s9, $0xF7A;
	s5 =	simm.s32 @!p2 $0x0  }
0x1d: {  	s5 =	simm.s32 @p1 $0x1;
	p0 =	seq.s32 s7, s2  }
0x1e: {  	s7 =	smul.u32 @!p0 $0xF7A, s2;
	p2 =	seq.s32 @!p0 s5, $0x0  }
0x1f: {  	s9 =	smul.u32 $0xF7A, s1;
	s8 =	simm.s32 @!p0 $0x1BF5;
	p2 =	por !p2, p0  }
0x20: {  	[sflag:s8] =	ssyncset.s32 @!p0 $0xFFFFF086;
	s6 =	sadd.s32 @!p0 s3, s7;
	s7 =	simm.s32 @!p0 $0x108  }
0x21: {  	s3 =	sadd.s32 s3, s9;
	s6 =	sadd.s32 @!p0 $0x88, s6;
	s7 =	simm.s32 @p2 $0x1082  }
0x22: {  	[simem:s7], [sflag:s8] =	dma.local @!p0 [hbm:s6], $0xF7A  }
0x23: {  	s9 =	sor.u32 $0xD0000000, s2;
	s6 =	simm.s32 $0x108;
	_ =	swait.ge @!p0 [sflag:s8], $0x0  }
0x24: {  	s3 =	sadd.s32 $0x88, s3;
	s6 =	simm.s32 @!p1 $0x1082;
	[sflag:s4] =	ssyncset.s32 $0xFFFFF086  }
0x25: {  	[simem:s6], [sflag:s4] =	dma.local [hbm:s3], $0xF7A  }
0x26: {  	[smem:$0x3F9E] =	sst s1;
	(tag) =	ssettag s2;
	_ =	strace s9  }
0x27: {  	s1 =	sld [smem:$0x3FAE]  }
0x28: {  	s2 =	sld [smem:$0x3FAF]  }
0x29: {  	s4 =	sld [smem:$0x3FB1]  }
0x2a: {  	p0 =	seq.s32 s5, $0x0;
	s5 =	sld [smem:$0x3FB2]  }
0x2b: {  	s6 =	sld [smem:$0x3FB3]  }
0x2c: {  	s7 =	sld [smem:$0x3FB4]  }
0x2d: {  	s3 =	simm.s32 $0x108;
	s8 =	sld [smem:$0x3FB5]  }
0x2e: {  	s3 =	simm.s32 @!p0 $0x1082;
	s9 =	sld [smem:$0x3FB6]  }
0x2f: {  	lr =	sadd.s32 s0, s3;
	s0 =	sld [smem:$0x3FAD]  }
0x30: {  	s3 =	sld [smem:$0x3FB0]  }
0x31: {  	[smem:$0x3FB9] =	sst s10  }
0x32: {  	s10 =	sld [smem:$0x3FB7];
	_ =	sdelay $0x3  }
0x33: {  	p0 =	seq.s32 s10, $0x1;
	s10 =	sld [smem:$0x3FB9];
	_ =	sdelay $0x3  }
0x34: {  	[smem:$0x3FB9] =	sst s10  }
0x35: {  	s10 =	sld [smem:$0x3FB8];
	_ =	sdelay $0x3  }
0x36: {  	p1 =	seq.s32 s10, $0x1;
	s10 =	sld [smem:$0x3FB9];
	_ =	sdelay $0x3  }
0x37: {  	[smem:$0x3FB9] =	sst s10  }
0x38: {  	s10 =	sld [smem:$0x3FBA]  }
0x39: {  	_ = 	snop;
	(pc) =	sbr.ind lr, $3  }
0x3a: {  	_ = 	snop  }
0x3b: {  	_ = 	snop  }
0x3c: {  	p2 =	seq.s32 s10, $0x1;
	s10 =	sld [smem:$0x3FB9]  }
0x3d: {  	_ =	shalt  }
0x3e: {  	_ =	shalt  }
0x3f: {  	_ =	shalt  }
0x40: {  	_ =	shalt  }
0x41: {  	_ =	shalt  }
0x42: {  	_ =	shalt  }
0x43: {  	_ =	shalt  }
0x44: {  	_ =	shalt  }
0x45: {  	_ =	shalt  }
0x46: {  	_ =	shalt  }
0x47: {  	_ =	shalt  }
0x48: {  	_ =	shalt  }
0x49: {  	_ =	shalt  }
0x4a: {  	_ =	shalt  }
0x4b: {  	_ =	shalt  }
0x4c: {  	_ =	shalt  }
0x4d: {  	_ =	shalt  }
0x4e: {  	_ =	shalt  }
0x4f: {  	_ =	shalt  }
0x50: {  	_ =	shalt  }
0x51: {  	_ =	shalt  }
0x52: {  	_ =	shalt  }
0x53: {  	_ =	shalt  }
0x54: {  	_ =	shalt  }
0x55: {  	_ =	shalt  }
0x56: {  	_ =	shalt  }
0x57: {  	_ =	shalt  }
0x58: {  	_ =	shalt  }
0x59: {  	_ =	shalt  }
0x5a: {  	_ =	shalt  }
0x5b: {  	_ =	shalt  }
0x5c: {  	_ =	shalt  }
0x5d: {  	_ =	shalt  }
0x5e: {  	_ =	shalt  }
0x5f: {  	_ =	shalt  }
0x60: {  	_ =	shalt  }
0x61: {  	_ =	shalt  }
0x62: {  	_ =	shalt  }
0x63: {  	_ =	shalt  }
0x64: {  	_ =	shalt  }
0x65: {  	_ =	shalt  }
0x66: {  	_ =	shalt  }
0x67: {  	_ =	shalt  }
0x68: {  	_ =	shalt  }
0x69: {  	_ =	shalt  }
0x6a: {  	_ =	shalt  }
0x6b: {  	_ =	shalt  }
0x6c: {  	_ =	shalt  }
0x6d: {  	_ =	shalt  }
0x6e: {  	_ =	shalt  }
0x6f: {  	_ =	shalt  }
0x70: {  	_ =	shalt  }
0x71: {  	_ =	shalt  }
0x72: {  	_ =	shalt  }
0x73: {  	_ =	shalt  }
0x74: {  	_ =	shalt  }
0x75: {  	_ =	shalt  }
0x76: {  	_ =	shalt  }
0x77: {  	_ =	shalt  }
0x78: {  	_ =	shalt  }
0x79: {  	_ =	shalt  }
0x7a: {  	_ =	shalt  }
0x7b: {  	_ =	shalt  }
0x7c: {  	_ =	shalt  }
0x7d: {  	_ =	shalt  }
0x7e: {  	_ =	shalt  }
0x7f: {  	_ =	shalt  }
0x80: {  	_ =	shalt  }
0x81: {  	_ =	shalt  }
0x82: {  	_ =	shalt  }
0x83: {  	_ =	shalt  }
0x84: {  	_ =	shalt  }
0x85: {  	_ =	shalt  }
0x86: {  	_ =	shalt  }
0x87: {  	_ =	shalt  }
.Lfunc_end0:
.L_simem_size_0:
called_computation_lowered:
.L_overlay_start_0:
0x88: {  	s2 =	sld [smem:$0x3FD9]  }
0x89: {  	s3 =	sld [smem:$0x3FFE];
	_ =	sdelay $0x1  }
0x8a: {  	s1 =	srdreg.scid  }
0x8b: {  	s0 =	sand.u32 $0x1, s1  }
0x8c: {  	s17 =	sshll.u32 s0, $0xA;
	s2 =	sadd.s32 s3, s2  }
0x8d: {  	s2 =	sadd.s32 s2, s17  }
0x8e: {  	[smem:$0x3FC5] =	sst s2  }
0x8f: {  	_ = 	snop  }
0x90: {  	s2 =	sld [smem:$0x3FC8]  }
0x91: {  	s18 =	sld [smem:$0x3FC7]  }
0x92: {  	s4 =	sld [smem:$0x3FD0];
	(tm) =	ssettm $0x1  }
0x93: {  	s5 =	sld [smem:$0x3FFB];
	_ =	sdelay $0x3  }
0x94: {  	_ =	strace s5  }
0x95: {  	s5 =	sld [smem:$0x3FFC];
	_ =	sdelay $0x3  }
0x96: {  	_ =	strace s5  }
0x97: {  	s5 =	sld [smem:$0x3FFD];
	_ =	sdelay $0x3  }
0x98: {  	_ =	strace s5  }
0x99: {  	_ =	strace $0x8FFFFFFF  }
0x9a: {  	s19 =	sld [smem:$0x3FDB];
	_ =	sdelay $0x1  }
0x9b: {  	s6 =	simm.s32 $_scs_section_size  }
0x9c: {  	s7 =	simm.s32 $_size__tile_overlayer_lowered;
	s8 =	simm.s32 $_tile_overlayer_lowered  }
0x9d: {  	s22 =	simm.s32 $0x1BFF;
	s21 =	sshll.u32 s8, $0x1;
	s5 =	sadd.s32 s6, s19  }
0x9e: {  	s9 =	simm.s32 $0x0;
	s20 =	sshll.u32 s7, $0x1;
	s7 =	sadd.s32 s21, s5  }
0x9f: {  	[timem:s9], [sflag:s22] =	dma.local [hbm:s7], s20  }
0xa0: {  	_ =	swait.ge [sflag:s22], s20  }
0xa1: {  	s6 =	ssub.s32 $0x0, s20;
	[sflag:s22] =	ssyncset.done $0x0  }
0xa2: {  	[sflag:s22] =	ssyncadd.s32 s6;
	_ =	sdelay $0x1  }
0xa3: {  	s23 =	simm.s32 $0x1B8B  }
0xa4: {  	_ =	swait.ge [sflag:s23], $0x1  }
0xa5: {  	[sflag:s23] =	ssyncset.done $0x0  }
0xa6: {  	s25 =	simm.s32 $0x1B8E;
	s24 =	sld [smem:$0x3FFE];
	[sflag:s23] =	ssyncadd.s32 $0xFFFFFFFF  }
0xa7: {  	s26 =	simm.s32 $execute0_lowered;
	[smem:$0x3FD2] =	sst s25  }
0xa8: {  	s7 =	sshll.u32 s26, $0x1;
	_ =	strace $0x80000046;
	[dreg:$0x1] =	wrdreg $0xFFFFFFFF  }
0xa9: {  	s28 =	simm.s32 $_size_execute0_lowered;
	s5 =	sadd.s32 s5, s7;
	[dreg:$0x0] =	wrdreg $0x0  }
0xaa: {  	s7 =	sshll.u32 s28, $0x1;
	[dreg:$0x2] =	wrdreg s5  }
0xab: {  	[dreg:$0x3] =	wrdreg s7  }
0xac: {  	[dreg:$0x4] =	wrdreg $0xC0  }
0xad: {  	_ =	task [dreg:s9], $0x5FFFF  }
0xae: {  	[dreg:$0x1] =	wrdreg $0xFFFFFFFF  }
0xaf: {  	[dreg:$0x0] =	wrdreg $0x60  }
0xb0: {  	[dreg:$0x2] =	wrdreg s24  }
0xb1: {  	[dreg:$0x3] =	wrdreg s2  }
0xb2: {  	[dreg:$0x4] =	wrdreg s18  }
0xb3: {  	[dreg:$0x5] =	wrdreg s4  }
0xb4: {  	[dreg:$0x6] =	wrdreg $0x9  }
0xb5: {  	_ =	task.clear_ibuf [dreg:s9], $0x7FFFF;
	_ =	strace $0x90000046  }
0xb6: {  	s29 =	simm.s32 $0x9;
	_ =	strace $0x80000048  }
0xb7: {  	_ =	swait.ge [sflag:s29], $0x1  }
0xb8: {  	[sflag:s29] =	ssyncadd.s32 $0xFFFFFFFF  }
0xb9: {  	_ =	strace $0x90000048  }
0xba: {  	_ =	sfence  }
0xbb: {  	s30 =	sld [smem:$0x0];
	_ =	sdelay $0x2  }
0xbc: {  	s31 =	sshll.u32 s1, $0xD;
	s1 =	sshrl.u32 s1, $0x2  }
0xbd: {  	s3 =	sand.u32 $0x4000, s31;
	s1 =	sadd.s32 s1, s30  }
0xbe: {  	s0 =	sor.u32 s3, s0;
	s1 =	sshll.u32 s1, $0x11  }
0xbf: {  	s0 =	sor.u32 s1, s0  }
0xc0: {  	s0 =	sadd.s32 $0x8F2B, s0  }
0xc1: {  	[sflag:s0] =	ssyncadd.remote.s32 $0x1  }
0xc2: {  	_ =	sfence.sel $0xFFFF  }
0xc3: {  	[dreg:$0x0] =	wrdreg $0xFFFFFFFF;
	(pc) =	sbr.abs _section_cstart, $3  }
0xc4: {  	[dreg:$0x1] =	wrdreg $0xFFFFFFFF  }
0xc5: {  	_ =	task.clear_ibuf [dreg:s9], $0x2FFFF;
	_ =	strace $0x9FFFFFFF  }
0xc6: {  	(tm) =	ssettm $0x7FFFFFFF  }
0xc7: {  	_ =	shalt  }
tec
execute0_lowered:
.L_overlay_start_1:
0x0: {  	(tag) =	ssettag $0x1  }
0x1: {  	s1 =	rddreg [dreg:$0x0]  }
0x2: {  	s6 =	rddreg [dreg:$0x1];
	s3 =	srdreg.scid  }
0x3: {  	s2 =	rddreg [dreg:$0x2];
	s0 =	stileid.u32  }
0x4: {  	s4 =	simm.s32 $0x0;
	s11 =	simm.s32 $0xA;
	s12 =	simm.s32 $0x4000  }
0x5: {  	s14 =	simm.s32 $0x15280;
	s15 =	simm.s32 $0x15A80;
	s16 =	simm.s32 $0x16280  }
0x6: {  	s17 =	simm.s32 $0x16A80;
	s18 =	simm.s32 $0x17280;
	s19 =	simm.s32 $0x9  }
0x7: {  	s20 =	simm.s32 $0x0;
	s5 =	sand.u32 $0x1, s3;
	s3 =	rddreg [dreg:$0x3]  }
0x8: {  	s7 =	sshll.u32 s0, $0x8;
	[smem:$0x7FF] =	sst s4;
	s8 =	sshll.u32 s5, $0x7  }
.Ltmp0:
0x9: {  	v3 =	vlaneseq.u32;
	s5 =	ssub.s32 $0x2, s5;
	_ =	strace $0x80000047;
	(pc) =	sbr.rel .LBB2_1-.Ltmp0, $4  }
0xa: {  	v0 =	vand.u32 $0x7, v3;
	v2 =	vshrl.u32 v3, $0x3;
	s9 =	sor.u32 s8, s7;
	s30 =	sshrl.u32 s5, $0x1;
	s8 =	sadd.s32 $0x200, s2  }
0xb: {  	v63 =	vor.u32 $0x8, v3;
	[tilespmem:$0x1FFD0] =	vst v0;
	v62 =	vmul.u32 $0x8, v2;
	s7 =	sshll.u32 s9, $0x4;
	s10 =	ssub.s32 s5, s30;
	s31 =	sshrl.u32 s9, $0x3  }
0xc: {  	[tilespmem:$0x1FFF0] =	vst v63;
	s9 =	sadd.s32 $0xFFFFFFF9, s9;
	s1 =	sadd.s32 s7, s1;
	s6 =	sadd.s32 s6, s31  }
0xd: {  	vm0 =	vmmov $0xffff;
	[tilespmem:$0x1FFE0] =	vst v62;
	s7 =	sadd.s32 $0x100, s2;
	s10 =	smax.u32 s10, $0x1;
	s5 =	sadd.s32 $0x400, s1  }
.LBB2_14:
0xe: {  	s20 =	sadd.s32 $0x1, s20  }
0xf: {  	p0 =	sne.s32 s20, s10  }
.Ltmp1:
0x10: {  	_ = 	snop;
	(pc) =	sbr.rel @!p0 .LBB2_15-.Ltmp1, $4  }
0x11: {  	_ = 	snop  }
0x12: {  	_ =	swait.ge [sflag:s19], $0x1800  }
0x13: {  	[sflag:s19] =	ssyncset.done $0x0  }
0x14: {  	[sflag:s19] =	ssyncadd.s32 $0xFFFFE800  }
.LBB2_1:
0x15: {  	[tilespmem:s4], [sflag:$0xA] =	stream.linear.gather [hbm4b:s5+s4], $0x4000, $0x38;
	[tilespmem:$0x1F280] =	vst v63  }
0x16: {  	_ =	swait.ge [sflag:s11], $0x4000  }
0x17: {  	[sflag:s11] =	ssyncset.done $0x0  }
0x18: {  	[sflag:s11] =	ssyncadd.s32 $0xFFFFC000  }
0x19: {  	[tilespmem:s12], [sflag:$0xA] =	stream.linear.gather [hbm4b:s6+s4], $0x90, $0x38;
	[tilespmem:$0x1F280] =	vst v63  }
0x1a: {  	_ =	swait.ge [sflag:s11], $0x90  }
0x1b: {  	[sflag:s11] =	ssyncset.done $0x0  }
0x1c: {  	s1 =	simm.s32 $0x20;
	[sflag:s11] =	ssyncadd.s32 $0xFFFFFF70  }
0x1d: {  	v4 =	vld [tilespmem:s1+$0xFFFFFFE0];
	_ =	sdelay $0x4  }
0x1e: {  	[tilespmem:s4+$0x4100] =	vst v4  }
0x1f: {  	v4 =	vld [tilespmem:s1+$0xFFFFFFF0];
	_ =	sdelay $0x4  }
0x20: {  	[tilespmem:s4+$0x4110] =	vst v4  }
0x21: {  	v4 =	vld [tilespmem:s1+$0x0];
	_ =	sdelay $0x4  }
0x22: {  	[tilespmem:s4+$0x4120] =	vst v4  }
0x23: {  	v4 =	vld [tilespmem:s1+$0x10];
	_ =	sdelay $0x4  }
0x24: {  	s31 =	simm.s32 $0x0;
	[tilespmem:s4+$0x4130] =	vst v4  }
0x25: {  	v4 =	vld [tilespmem:s31+$0x4000];
	_ =	sdelay $0x4  }
0x26: {  	(v2sf) =	vpush v4, $0x0;
	_ =	sdelay $0xa  }
0x27: {  	s21 =	simm.s32 $0xA0  }
0x28: {  	s23 =	simm.s32 $0x8;
	s22 =	simm.s32 $0x0;
	s1 =	simm.s32 $0x4;
	v4 =	vld [tilespmem:s21+$0xFFFFFFE0]  }
.LBB2_2:
0x29: {  	p0 =	sne.s32 s23, $0x1FC;
	_ =	sdelay $0x1  }
0x2a: {  	s24 =	spop (v2sf)  }
0x2b: {  	s22 =	sadd.s32 s22, s24  }
0x2c: {  	[tilespmem:s22+$0x4100] =	vst v4  }
0x2d: {  	v4 =	vld [tilespmem:s21+$0xFFFFFFF0];
	_ =	sdelay $0x4  }
0x2e: {  	[tilespmem:s22+$0x4110] =	vst v4  }
0x2f: {  	v4 =	vld [tilespmem:s21+$0x0];
	_ =	sdelay $0x4  }
0x30: {  	[tilespmem:s22+$0x4120] =	vst v4  }
0x31: {  	v4 =	vld [tilespmem:s21+$0x10];
	_ =	sdelay $0x4  }
0x32: {  	s24 =	sshra.s32 s1, $0x2;
	s1 =	smov.u32 s23;
	[tilespmem:s22+$0x4130] =	vst v4  }
0x33: {  	v4 =	vld [tilespmem:s24+$0x4000];
	_ =	sdelay $0x4  }
0x34: {  	(v2sf) =	vpush v4, $0x0;
	_ =	sdelay $0x7  }
.Ltmp2:
0x35: {  	(pc) =	sbr.rel @p0 .LBB2_2-.Ltmp2, $3  }
0x36: {  	_ =	sdelay $0x1  }
0x37: {  	s21 =	sadd.s32 $0x80, s21  }
0x38: {  	s23 =	sadd.s32 $0x4, s23;
	v4 =	vld [tilespmem:s21+$0xFFFFFFE0]  }
0x39: {  	_ =	sdelay $0x1  }
0x3a: {  	s23 =	spop (v2sf)  }
0x3b: {  	s22 =	sadd.s32 s22, s23  }
0x3c: {  	[tilespmem:s22+$0x4100] =	vst v4  }
0x3d: {  	v4 =	vld [tilespmem:s21+$0xFFFFFFF0];
	_ =	sdelay $0x4  }
0x3e: {  	[tilespmem:s22+$0x4110] =	vst v4  }
0x3f: {  	v4 =	vld [tilespmem:s21+$0x0];
	_ =	sdelay $0x4  }
0x40: {  	[tilespmem:s22+$0x4120] =	vst v4  }
0x41: {  	v4 =	vld [tilespmem:s21+$0x10];
	_ =	sdelay $0x4  }
0x42: {  	s1 =	sshra.s32 s1, $0x2;
	[tilespmem:s22+$0x4130] =	vst v4  }
0x43: {  	v4 =	vld [tilespmem:s1+$0x4000];
	_ =	sdelay $0x4  }
0x44: {  	(v2sf) =	vpush v4, $0x0;
	_ =	sdelay $0xe  }
0x45: {  	s31 =	spop (v2sf)  }
0x46: {  	s1 =	sadd.s32 s22, s31  }
0x47: {  	v0 =	vimm.s32 $0x0;
	s22 =	sadd.s32 $0xF, s1  }
0x48: {  	[tilespmem:s1+$0x4100] =	vst v0;
	s21 =	sshrl.u32 s22, $0x4  }
0x49: {  	[tilespmem:s1+$0x4110] =	vst v0;
	p0 =	seq.s32 s21, $0x0  }
0x4a: {  	v4 =	vld @!p0 [tilespmem:$0x4100];
	_ =	sdelay $0x4  }
0x4b: {  	v5 =	vshrl.u32 @!p0 v4, $0x3  }
0x4c: {  	v5 =	vmul.u32 @!p0 $0x30, v5  }
0x4d: {  	v6 =	vlaneseq.u32 @!p0;
	v4 =	vand.u32 @!p0 $0x7, v4  }
0x4e: {  	v7 =	vshrl.u32 @!p0 v6, $0x3;
	v4 =	vor.u32 @!p0 v4, v5;
	v5 =	vand.u32 @!p0 $0x7, v6  }
0x4f: {  	v7 =	vmul.u32 @!p0 $0x8, v7;
	v5 =	vperm.xlane @!p0 v4, v5;
	_ =	sdelay $0x1  }
0x50: {  	v5 =	vadd.s32 @!p0 v7, v5;
	_ =	sdelay $0x2  }
0x51: {  	v6 =	vor.u32 @!p0 $0x8, v6  }
0x52: {  	vm1 =	vmmov @!p0 $0xffff;
	s1 =	simm.s32 @!p0 $0x0;
	s23 =	simm.s32 @!p0 $0x5A80;
	v4 =	vperm.xlane @!p0 v4, v6  }
0x53: {  	[tilespmem:s23], [sflag:$0x1] =	stream.indirect_vreg.gather @!p0 [hbm4b:s2+s1], $0x80, v5, vm1, $0xb8;
	[tilespmem:$0x1F280] =	vst v63  }
0x54: {  	v4 =	vadd.s32 @!p0 v7, v4;
	s23 =	simm.s32 @!p0 $0x6280  }
0x55: {  	[tilespmem:s23], [sflag:$0x1] =	stream.indirect_vreg.gather @!p0 [hbm4b:s7+s1], $0x80, v5, vm1, $0xb8;
	[tilespmem:$0x1F280] =	vst v63  }
0x56: {  	s23 =	simm.s32 @!p0 $0x6A80  }
0x57: {  	[tilespmem:s23], [sflag:$0x1] =	stream.indirect_vreg.gather @!p0 [hbm4b:s8+s1], $0x80, v5, vm1, $0xb8;
	[tilespmem:$0x1F280] =	vst v63  }
0x58: {  	s23 =	simm.s32 @!p0 $0x7280  }
0x59: {  	[tilespmem:s23], [sflag:$0x1] =	stream.indirect_vreg.gather @!p0 [hbm4b:s2+s1], $0x80, v4, vm1, $0xb8;
	[tilespmem:$0x1F280] =	vst v63  }
0x5a: {  	s23 =	simm.s32 @!p0 $0x7A80  }
0x5b: {  	[tilespmem:s23], [sflag:$0x1] =	stream.indirect_vreg.gather @!p0 [hbm4b:s7+s1], $0x80, v4, vm1, $0xb8;
	[tilespmem:$0x1F280] =	vst v63  }
0x5c: {  	s23 =	simm.s32 @!p0 $0x8280  }
0x5d: {  	[tilespmem:s23], [sflag:$0x1] =	stream.indirect_vreg.gather @!p0 [hbm4b:s8+s1], $0x80, v4, vm1, $0xb8;
	[tilespmem:$0x1F280] =	vst v63  }
0x5e: {  	p0 =	slt.u32 s22, $0x20  }
0x5f: {  	v4 =	vld @!p0 [tilespmem:$0x4110];
	_ =	sdelay $0x4  }
0x60: {  	v5 =	vshrl.u32 @!p0 v4, $0x3  }
0x61: {  	v5 =	vmul.u32 @!p0 $0x30, v5  }
0x62: {  	v6 =	vlaneseq.u32 @!p0;
	v4 =	vand.u32 @!p0 $0x7, v4  }
0x63: {  	v7 =	vshrl.u32 @!p0 v6, $0x3;
	v4 =	vor.u32 @!p0 v4, v5;
	v5 =	vand.u32 @!p0 $0x7, v6  }
0x64: {  	v7 =	vmul.u32 @!p0 $0x8, v7;
	v5 =	vperm.xlane @!p0 v4, v5;
	_ =	sdelay $0x1  }
0x65: {  	v5 =	vadd.s32 @!p0 v7, v5;
	_ =	sdelay $0x2  }
0x66: {  	v6 =	vor.u32 @!p0 $0x8, v6  }
0x67: {  	vm1 =	vmmov @!p0 $0xffff;
	s1 =	simm.s32 @!p0 $0x0;
	s23 =	simm.s32 @!p0 $0x8A80;
	v4 =	vperm.xlane @!p0 v4, v6  }
0x68: {  	[tilespmem:s23], [sflag:$0x2] =	stream.indirect_vreg.gather @!p0 [hbm4b:s2+s1], $0x80, v5, vm1, $0xb8;
	[tilespmem:$0x1F280] =	vst v63  }
0x69: {  	v4 =	vadd.s32 @!p0 v7, v4;
	s23 =	simm.s32 @!p0 $0x9280  }
0x6a: {  	[tilespmem:s23], [sflag:$0x2] =	stream.indirect_vreg.gather @!p0 [hbm4b:s7+s1], $0x80, v5, vm1, $0xb8;
	[tilespmem:$0x1F280] =	vst v63  }
0x6b: {  	s23 =	simm.s32 @!p0 $0x9A80  }
0x6c: {  	[tilespmem:s23], [sflag:$0x2] =	stream.indirect_vreg.gather @!p0 [hbm4b:s8+s1], $0x80, v5, vm1, $0xb8;
	[tilespmem:$0x1F280] =	vst v63  }
0x6d: {  	s23 =	simm.s32 @!p0 $0xA280  }
0x6e: {  	[tilespmem:s23], [sflag:$0x2] =	stream.indirect_vreg.gather @!p0 [hbm4b:s2+s1], $0x80, v4, vm1, $0xb8;
	[tilespmem:$0x1F280] =	vst v63  }
0x6f: {  	s23 =	simm.s32 @!p0 $0xAA80  }
0x70: {  	[tilespmem:s23], [sflag:$0x2] =	stream.indirect_vreg.gather @!p0 [hbm4b:s7+s1], $0x80, v4, vm1, $0xb8;
	[tilespmem:$0x1F280] =	vst v63  }
0x71: {  	p1 =	slt.u32 @!p0 s22, $0x30;
	s23 =	simm.s32 @!p0 $0xB280  }
0x72: {  	[tilespmem:s23], [sflag:$0x2] =	stream.indirect_vreg.gather @!p0 [hbm4b:s8+s1], $0x80, v4, vm1, $0xb8;
	[tilespmem:$0x1F280] =	vst v63  }
0x73: {  	p0 =	por p0, p1  }
0x74: {  	v4 =	vld @!p0 [tilespmem:$0x4120];
	_ =	sdelay $0x4  }
0x75: {  	v5 =	vshrl.u32 @!p0 v4, $0x3  }
0x76: {  	v5 =	vmul.u32 @!p0 $0x30, v5  }
0x77: {  	v6 =	vlaneseq.u32 @!p0;
	v4 =	vand.u32 @!p0 $0x7, v4  }
0x78: {  	v7 =	vshrl.u32 @!p0 v6, $0x3;
	v4 =	vor.u32 @!p0 v4, v5;
	v5 =	vand.u32 @!p0 $0x7, v6  }
0x79: {  	v7 =	vmul.u32 @!p0 $0x8, v7;
	v5 =	vperm.xlane @!p0 v4, v5;
	_ =	sdelay $0x1  }
0x7a: {  	v5 =	vadd.s32 @!p0 v7, v5;
	_ =	sdelay $0x2  }
0x7b: {  	v6 =	vor.u32 @!p0 $0x8, v6  }
0x7c: {  	vm1 =	vmmov @!p0 $0xffff;
	s1 =	simm.s32 @!p0 $0x0;
	s23 =	simm.s32 @!p0 $0xBA80;
	v4 =	vperm.xlane @!p0 v4, v6  }
0x7d: {  	[tilespmem:s23], [sflag:$0x3] =	stream.indirect_vreg.gather @!p0 [hbm4b:s2+s1], $0x80, v5, vm1, $0xb8;
	[tilespmem:$0x1F280] =	vst v63  }
0x7e: {  	v4 =	vadd.s32 @!p0 v7, v4;
	s23 =	simm.s32 @!p0 $0xC280  }
0x7f: {  	[tilespmem:s23], [sflag:$0x3] =	stream.indirect_vreg.gather @!p0 [hbm4b:s7+s1], $0x80, v5, vm1, $0xb8;
	[tilespmem:$0x1F280] =	vst v63  }
0x80: {  	s23 =	simm.s32 @!p0 $0xCA80  }
0x81: {  	[tilespmem:s23], [sflag:$0x3] =	stream.indirect_vreg.gather @!p0 [hbm4b:s8+s1], $0x80, v5, vm1, $0xb8;
	[tilespmem:$0x1F280] =	vst v63  }
0x82: {  	s23 =	simm.s32 @!p0 $0xD280  }
0x83: {  	[tilespmem:s23], [sflag:$0x3] =	stream.indirect_vreg.gather @!p0 [hbm4b:s2+s1], $0x80, v4, vm1, $0xb8;
	[tilespmem:$0x1F280] =	vst v63  }
0x84: {  	s23 =	simm.s32 @!p0 $0xDA80  }
0x85: {  	[tilespmem:s23], [sflag:$0x3] =	stream.indirect_vreg.gather @!p0 [hbm4b:s7+s1], $0x80, v4, vm1, $0xb8;
	[tilespmem:$0x1F280] =	vst v63  }
0x86: {  	p1 =	slt.u32 @!p0 s22, $0x40;
	s23 =	simm.s32 @!p0 $0xE280  }
0x87: {  	[tilespmem:s23], [sflag:$0x3] =	stream.indirect_vreg.gather @!p0 [hbm4b:s8+s1], $0x80, v4, vm1, $0xb8;
	[tilespmem:$0x1F280] =	vst v63  }
0x88: {  	p0 =	por p0, p1  }
0x89: {  	v4 =	vld @!p0 [tilespmem:$0x4130];
	_ =	sdelay $0x4  }
0x8a: {  	v5 =	vshrl.u32 @!p0 v4, $0x3  }
0x8b: {  	v5 =	vmul.u32 @!p0 $0x30, v5  }
0x8c: {  	v6 =	vlaneseq.u32 @!p0;
	v4 =	vand.u32 @!p0 $0x7, v4  }
0x8d: {  	v7 =	vshrl.u32 @!p0 v6, $0x3;
	v4 =	vor.u32 @!p0 v4, v5;
	v5 =	vand.u32 @!p0 $0x7, v6  }
0x8e: {  	v7 =	vmul.u32 @!p0 $0x8, v7;
	v5 =	vperm.xlane @!p0 v4, v5;
	_ =	sdelay $0x1  }
0x8f: {  	v5 =	vadd.s32 @!p0 v7, v5;
	_ =	sdelay $0x2  }
0x90: {  	v6 =	vor.u32 @!p0 $0x8, v6  }
0x91: {  	vm1 =	vmmov @!p0 $0xffff;
	s1 =	simm.s32 @!p0 $0x0;
	s23 =	simm.s32 @!p0 $0xEA80;
	v4 =	vperm.xlane @!p0 v4, v6  }
0x92: {  	[tilespmem:s23], [sflag:$0x4] =	stream.indirect_vreg.gather @!p0 [hbm4b:s2+s1], $0x80, v5, vm1, $0xb8;
	[tilespmem:$0x1F280] =	vst v63  }
0x93: {  	v4 =	vadd.s32 @!p0 v7, v4;
	s23 =	simm.s32 @!p0 $0xF280  }
0x94: {  	[tilespmem:s23], [sflag:$0x4] =	stream.indirect_vreg.gather @!p0 [hbm4b:s7+s1], $0x80, v5, vm1, $0xb8;
	[tilespmem:$0x1F280] =	vst v63  }
0x95: {  	s23 =	simm.s32 @!p0 $0xFA80  }
0x96: {  	[tilespmem:s23], [sflag:$0x4] =	stream.indirect_vreg.gather @!p0 [hbm4b:s8+s1], $0x80, v5, vm1, $0xb8;
	[tilespmem:$0x1F280] =	vst v63  }
0x97: {  	s23 =	simm.s32 @!p0 $0x10280  }
0x98: {  	[tilespmem:s23], [sflag:$0x4] =	stream.indirect_vreg.gather @!p0 [hbm4b:s2+s1], $0x80, v4, vm1, $0xb8;
	[tilespmem:$0x1F280] =	vst v63  }
0x99: {  	s23 =	simm.s32 @!p0 $0x10A80  }
0x9a: {  	[tilespmem:s23], [sflag:$0x4] =	stream.indirect_vreg.gather @!p0 [hbm4b:s7+s1], $0x80, v4, vm1, $0xb8;
	[tilespmem:$0x1F280] =	vst v63  }
0x9b: {  	p1 =	slt.u32 @!p0 s22, $0x50;
	s23 =	simm.s32 @!p0 $0x11280  }
0x9c: {  	[tilespmem:s23], [sflag:$0x4] =	stream.indirect_vreg.gather @!p0 [hbm4b:s8+s1], $0x80, v4, vm1, $0xb8;
	[tilespmem:$0x1F280] =	vst v63  }
0x9d: {  	p0 =	por p0, p1  }
0x9e: {  	v4 =	vld @!p0 [tilespmem:$0x4140];
	_ =	sdelay $0x4  }
0x9f: {  	v5 =	vshrl.u32 @!p0 v4, $0x3  }
0xa0: {  	v5 =	vmul.u32 @!p0 $0x30, v5  }
0xa1: {  	v6 =	vlaneseq.u32 @!p0;
	v4 =	vand.u32 @!p0 $0x7, v4  }
0xa2: {  	v7 =	vshrl.u32 @!p0 v6, $0x3;
	v4 =	vor.u32 @!p0 v4, v5;
	v5 =	vand.u32 @!p0 $0x7, v6  }
0xa3: {  	v7 =	vmul.u32 @!p0 $0x8, v7;
	v5 =	vperm.xlane @!p0 v4, v5;
	_ =	sdelay $0x1  }
0xa4: {  	v5 =	vadd.s32 @!p0 v7, v5;
	_ =	sdelay $0x2  }
0xa5: {  	v6 =	vor.u32 @!p0 $0x8, v6  }
0xa6: {  	vm1 =	vmmov @!p0 $0xffff;
	s1 =	simm.s32 @!p0 $0x0;
	s23 =	simm.s32 @!p0 $0x11A80;
	v4 =	vperm.xlane @!p0 v4, v6  }
0xa7: {  	[tilespmem:s23], [sflag:$0x5] =	stream.indirect_vreg.gather @!p0 [hbm4b:s2+s1], $0x80, v5, vm1, $0xb8;
	[tilespmem:$0x1F280] =	vst v63  }
0xa8: {  	v4 =	vadd.s32 @!p0 v7, v4;
	s23 =	simm.s32 @!p0 $0x12280  }
0xa9: {  	[tilespmem:s23], [sflag:$0x5] =	stream.indirect_vreg.gather @!p0 [hbm4b:s7+s1], $0x80, v5, vm1, $0xb8;
	[tilespmem:$0x1F280] =	vst v63  }
0xaa: {  	s23 =	simm.s32 @!p0 $0x12A80  }
0xab: {  	[tilespmem:s23], [sflag:$0x5] =	stream.indirect_vreg.gather @!p0 [hbm4b:s8+s1], $0x80, v5, vm1, $0xb8;
	[tilespmem:$0x1F280] =	vst v63  }
0xac: {  	s23 =	simm.s32 @!p0 $0x13280  }
0xad: {  	[tilespmem:s23], [sflag:$0x5] =	stream.indirect_vreg.gather @!p0 [hbm4b:s2+s1], $0x80, v4, vm1, $0xb8;
	[tilespmem:$0x1F280] =	vst v63  }
0xae: {  	s23 =	simm.s32 @!p0 $0x13A80  }
0xaf: {  	[tilespmem:s23], [sflag:$0x5] =	stream.indirect_vreg.gather @!p0 [hbm4b:s7+s1], $0x80, v4, vm1, $0xb8;
	[tilespmem:$0x1F280] =	vst v63  }
0xb0: {  	p1 =	slt.u32 @!p0 s22, $0x60;
	s23 =	simm.s32 @!p0 $0x14280  }
0xb1: {  	[tilespmem:s23], [sflag:$0x5] =	stream.indirect_vreg.gather @!p0 [hbm4b:s8+s1], $0x80, v4, vm1, $0xb8;
	[tilespmem:$0x1F280] =	vst v63  }
0xb2: {  	p0 =	por p0, p1  }
.Ltmp3:
0xb3: {  	_ = 	snop;
	(pc) =	sbr.rel @p0 .LBB2_5-.Ltmp3, $1  }
0xb4: {  	_ =	sdelay $0x3  }
0xb5: {  	v4 =	vld [tilespmem:$0x4150];
	_ =	sdelay $0x3  }
0xb6: {  	v0 =	vld [tilespmem:$0x1FFD0]  }
0xb7: {  	v5 =	vshrl.u32 v4, $0x3  }
0xb8: {  	v63 =	vld [tilespmem:$0x1FFE0];
	v5 =	vmul.u32 $0x30, v5  }
0xb9: {  	v4 =	vand.u32 $0x7, v4  }
0xba: {  	v4 =	vor.u32 v4, v5  }
0xbb: {  	v5 =	vperm.xlane v4, v0  }
0xbc: {  	v1 =	vld [tilespmem:$0x1FFF0]  }
0xbd: {  	v5 =	vadd.s32 v63, v5;
	_ =	sdelay $0x3  }
0xbe: {  	s0 =	simm.s32 $0x14A80;
	v4 =	vperm.xlane v4, v1  }
0xbf: {  	[tilespmem:s0], [sflag:$0x6] =	stream.indirect_vreg.gather [hbm4b:s2+s4], $0x80, v5, vm0, $0xb8;
	[tilespmem:$0x1F280] =	vst v63  }
0xc0: {  	v4 =	vadd.s32 v63, v4  }
0xc1: {  	[tilespmem:s14], [sflag:$0x6] =	stream.indirect_vreg.gather [hbm4b:s7+s4], $0x80, v5, vm0, $0xb8;
	[tilespmem:$0x1F280] =	vst v63  }
0xc2: {  	_ = 	snop  }
0xc3: {  	[tilespmem:s15], [sflag:$0x6] =	stream.indirect_vreg.gather [hbm4b:s8+s4], $0x80, v5, vm0, $0xb8;
	[tilespmem:$0x1F280] =	vst v63  }
0xc4: {  	_ = 	snop  }
0xc5: {  	[tilespmem:s16], [sflag:$0x6] =	stream.indirect_vreg.gather [hbm4b:s2+s4], $0x80, v4, vm0, $0xb8;
	[tilespmem:$0x1F280] =	vst v63  }
0xc6: {  	_ = 	snop  }
0xc7: {  	[tilespmem:s17], [sflag:$0x6] =	stream.indirect_vreg.gather [hbm4b:s7+s4], $0x80, v4, vm0, $0xb8;
	[tilespmem:$0x1F280] =	vst v63  }
0xc8: {  	p0 =	slt.u32 s22, $0x70  }
0xc9: {  	[tilespmem:s18], [sflag:$0x6] =	stream.indirect_vreg.gather [hbm4b:s8+s4], $0x80, v4, vm0, $0xb8;
	[tilespmem:$0x1F280] =	vst v63  }
0xca: {  	v4 =	vld @!p0 [tilespmem:$0x4160];
	_ =	sdelay $0x4  }
0xcb: {  	v5 =	vshrl.u32 @!p0 v4, $0x3  }
0xcc: {  	v5 =	vmul.u32 @!p0 $0x30, v5  }
0xcd: {  	v6 =	vlaneseq.u32 @!p0;
	v4 =	vand.u32 @!p0 $0x7, v4  }
0xce: {  	v7 =	vshrl.u32 @!p0 v6, $0x3;
	v4 =	vor.u32 @!p0 v4, v5;
	v5 =	vand.u32 @!p0 $0x7, v6  }
0xcf: {  	v7 =	vmul.u32 @!p0 $0x8, v7;
	v5 =	vperm.xlane @!p0 v4, v5;
	_ =	sdelay $0x1  }
0xd0: {  	v5 =	vadd.s32 @!p0 v7, v5;
	_ =	sdelay $0x2  }
0xd1: {  	v6 =	vor.u32 @!p0 $0x8, v6  }
0xd2: {  	vm1 =	vmmov @!p0 $0xffff;
	s1 =	simm.s32 @!p0 $0x0;
	s23 =	simm.s32 @!p0 $0x17A80;
	v4 =	vperm.xlane @!p0 v4, v6  }
0xd3: {  	[tilespmem:s23], [sflag:$0x7] =	stream.indirect_vreg.gather @!p0 [hbm4b:s2+s1], $0x80, v5, vm1, $0xb8;
	[tilespmem:$0x1F280] =	vst v63  }
0xd4: {  	v4 =	vadd.s32 @!p0 v7, v4;
	s23 =	simm.s32 @!p0 $0x18280  }
0xd5: {  	[tilespmem:s23], [sflag:$0x7] =	stream.indirect_vreg.gather @!p0 [hbm4b:s7+s1], $0x80, v5, vm1, $0xb8;
	[tilespmem:$0x1F280] =	vst v63  }
0xd6: {  	s23 =	simm.s32 @!p0 $0x18A80  }
0xd7: {  	[tilespmem:s23], [sflag:$0x7] =	stream.indirect_vreg.gather @!p0 [hbm4b:s8+s1], $0x80, v5, vm1, $0xb8;
	[tilespmem:$0x1F280] =	vst v63  }
0xd8: {  	s23 =	simm.s32 @!p0 $0x19280  }
0xd9: {  	[tilespmem:s23], [sflag:$0x7] =	stream.indirect_vreg.gather @!p0 [hbm4b:s2+s1], $0x80, v4, vm1, $0xb8;
	[tilespmem:$0x1F280] =	vst v63  }
0xda: {  	s23 =	simm.s32 @!p0 $0x19A80  }
0xdb: {  	[tilespmem:s23], [sflag:$0x7] =	stream.indirect_vreg.gather @!p0 [hbm4b:s7+s1], $0x80, v4, vm1, $0xb8;
	[tilespmem:$0x1F280] =	vst v63  }
0xdc: {  	p1 =	slt.u32 @!p0 s22, $0x80;
	s23 =	simm.s32 @!p0 $0x1A280  }
0xdd: {  	[tilespmem:s23], [sflag:$0x7] =	stream.indirect_vreg.gather @!p0 [hbm4b:s8+s1], $0x80, v4, vm1, $0xb8;
	[tilespmem:$0x1F280] =	vst v63  }
0xde: {  	p0 =	por p1, p0  }
0xdf: {  	v4 =	vld @!p0 [tilespmem:$0x4170];
	_ =	sdelay $0x4  }
0xe0: {  	v5 =	vshrl.u32 @!p0 v4, $0x3  }
0xe1: {  	v5 =	vmul.u32 @!p0 $0x30, v5  }
0xe2: {  	v6 =	vlaneseq.u32 @!p0;
	v4 =	vand.u32 @!p0 $0x7, v4  }
0xe3: {  	v7 =	vshrl.u32 @!p0 v6, $0x3;
	v4 =	vor.u32 @!p0 v4, v5;
	v5 =	vand.u32 @!p0 $0x7, v6  }
0xe4: {  	v7 =	vmul.u32 @!p0 $0x8, v7;
	v5 =	vperm.xlane @!p0 v4, v5;
	_ =	sdelay $0x1  }
0xe5: {  	v5 =	vadd.s32 @!p0 v7, v5;
	_ =	sdelay $0x2  }
0xe6: {  	v6 =	vor.u32 @!p0 $0x8, v6  }
0xe7: {  	vm1 =	vmmov @!p0 $0xffff;
	s1 =	simm.s32 @!p0 $0x0;
	s22 =	simm.s32 @!p0 $0x1AA80;
	v4 =	vperm.xlane @!p0 v4, v6  }
0xe8: {  	[tilespmem:s22], [sflag:$0x8] =	stream.indirect_vreg.gather @!p0 [hbm4b:s2+s1], $0x80, v5, vm1, $0xb8;
	[tilespmem:$0x1F280] =	vst v63  }
0xe9: {  	v4 =	vadd.s32 @!p0 v7, v4;
	s22 =	simm.s32 @!p0 $0x1B280  }
0xea: {  	[tilespmem:s22], [sflag:$0x8] =	stream.indirect_vreg.gather @!p0 [hbm4b:s7+s1], $0x80, v5, vm1, $0xb8;
	[tilespmem:$0x1F280] =	vst v63  }
0xeb: {  	s22 =	simm.s32 @!p0 $0x1BA80  }
0xec: {  	[tilespmem:s22], [sflag:$0x8] =	stream.indirect_vreg.gather @!p0 [hbm4b:s8+s1], $0x80, v5, vm1, $0xb8;
	[tilespmem:$0x1F280] =	vst v63  }
0xed: {  	s22 =	simm.s32 @!p0 $0x1C280  }
0xee: {  	[tilespmem:s22], [sflag:$0x8] =	stream.indirect_vreg.gather @!p0 [hbm4b:s2+s1], $0x80, v4, vm1, $0xb8;
	[tilespmem:$0x1F280] =	vst v63  }
0xef: {  	s22 =	simm.s32 @!p0 $0x1CA80  }
0xf0: {  	[tilespmem:s22], [sflag:$0x8] =	stream.indirect_vreg.gather @!p0 [hbm4b:s7+s1], $0x80, v4, vm1, $0xb8;
	[tilespmem:$0x1F280] =	vst v63  }
0xf1: {  	s22 =	simm.s32 @!p0 $0x1D280  }
0xf2: {  	[tilespmem:s22], [sflag:$0x8] =	stream.indirect_vreg.gather @!p0 [hbm4b:s8+s1], $0x80, v4, vm1, $0xb8;
	[tilespmem:$0x1F280] =	vst v63  }
.LBB2_5:
.Ltmp4:
0xf3: {  	(pc) =	sbr.rel .LBB2_6-.Ltmp4, $3  }
0xf4: {  	_ =	sdelay $0x1  }
0xf5: {  	s22 =	smin.u32 s21, $0x8  }
0xf6: {  	s24 =	simm.s32 $0x0;
	s1 =	simm.s32 $0x0;
	s23 =	simm.s32 $0x0  }
.LBB2_9:
0xf7: {  	v4 =	vimm.f32 $0.0e+00;
	v5 =	vimm.f32 $0.0e+00;
	v6 =	vimm.f32 $0.0e+00  }
0xf8: {  	v7 =	vimm.f32 $0.0e+00;
	v8 =	vimm.f32 $0.0e+00;
	v9 =	vimm.f32 $0.0e+00  }
0xf9: {  	v10 =	vimm.f32 $0.0e+00;
	v11 =	vimm.f32 $0.0e+00;
	v12 =	vimm.f32 $0.0e+00  }
0xfa: {  	v13 =	vimm.f32 $0.0e+00;
	v14 =	vimm.f32 $0.0e+00;
	v15 =	vimm.f32 $0.0e+00  }
0xfb: {  	v16 =	vimm.f32 $0.0e+00;
	v17 =	vimm.f32 $0.0e+00;
	v18 =	vimm.f32 $0.0e+00  }
0xfc: {  	v19 =	vimm.f32 $0.0e+00;
	v20 =	vimm.f32 $0.0e+00;
	v21 =	vimm.f32 $0.0e+00  }
0xfd: {  	v22 =	vimm.f32 $0.0e+00;
	v23 =	vimm.f32 $0.0e+00;
	v24 =	vimm.f32 $0.0e+00  }
0xfe: {  	v25 =	vimm.f32 $0.0e+00;
	v26 =	vimm.f32 $0.0e+00;
	v27 =	vimm.f32 $0.0e+00  }
0xff: {  	v28 =	vimm.f32 $0.0e+00;
	v29 =	vimm.f32 $0.0e+00;
	v30 =	vimm.f32 $0.0e+00  }
0x100: {  	v31 =	vimm.f32 $0.0e+00;
	v32 =	vimm.f32 $0.0e+00;
	v33 =	vimm.f32 $0.0e+00  }
0x101: {  	v34 =	vimm.f32 $0.0e+00;
	v35 =	vimm.f32 $0.0e+00;
	v36 =	vimm.f32 $0.0e+00  }
0x102: {  	v37 =	vimm.f32 $0.0e+00;
	v39 =	vimm.f32 $0.0e+00;
	v40 =	vimm.f32 $0.0e+00  }
0x103: {  	v42 =	vimm.f32 $0.0e+00;
	v43 =	vimm.f32 $0.0e+00;
	v45 =	vimm.f32 $0.0e+00  }
0x104: {  	v46 =	vimm.f32 $0.0e+00;
	v47 =	vimm.f32 $0.0e+00;
	v48 =	vimm.f32 $0.0e+00  }
0x105: {  	v49 =	vimm.f32 $0.0e+00;
	v50 =	vimm.f32 $0.0e+00;
	v51 =	vimm.f32 $0.0e+00  }
0x106: {  	v44 =	vimm.f32 $0.0e+00;
	v41 =	vimm.f32 $0.0e+00;
	v38 =	vimm.f32 $0.0e+00  }
.LBB2_13:
0x107: {  	s0 =	sadd.s32 $0x80, s25  }
0x108: {  	s0 =	sshrl.u32 s0, $0x4  }
0x109: {  	s30 =	smin.u32 s21, s0  }
0x10a: {  	p0 =	sge.s32 s22, s30  }
0x10b: {  	s0 =	sshll.u32 @!p0 s22, $0x4  }
0x10c: {  	v0 =	vld @!p0 [tilespmem:s0+$0x4100];
	_ =	sdelay $0x4  }
0x10d: {  	v1 =	vshrl.u32 @!p0 v0, $0x3  }
0x10e: {  	v1 =	vmul.u32 @!p0 $0x30, v1  }
0x10f: {  	v2 =	vlaneseq.u32 @!p0;
	v0 =	vand.u32 @!p0 $0x7, v0  }
0x110: {  	v3 =	vshrl.u32 @!p0 v2, $0x3;
	v0 =	vor.u32 @!p0 v0, v1;
	v1 =	vand.u32 @!p0 $0x7, v2  }
0x111: {  	v3 =	vmul.u32 @!p0 $0x8, v3;
	v1 =	vperm.xlane @!p0 v0, v1  }
0x112: {  	s0 =	sand.u32 @!p0 $0x70, s0  }
0x113: {  	s1 =	sshrl.u32 @!p0 s0, $0x3;
	v1 =	vadd.s32 @!p0 v3, v1  }
0x114: {  	s1 =	smul.u32 @!p0 $0x6000, s1;
	_ =	sdelay $0x1  }
0x115: {  	s0 =	sshrl.u32 @!p0 s0, $0x4;
	s1 =	sshrl.u32 @!p0 s1, $0x2;
	v2 =	vor.u32 @!p0 $0x8, v2  }
0x116: {  	vm1 =	vmmov @!p0 $0xffff;
	s31 =	simm.s32 @!p0 $0x0;
	s0 =	sadd.s32 @!p0 $0x1, s0;
	s13 =	sadd.s32 @!p0 $0x5A80, s1;
	v0 =	vperm.xlane @!p0 v0, v2  }
0x117: {  	[tilespmem:s13], [sflag:s0] =	stream.indirect_vreg.gather @!p0 [hbm4b:s2+s31], $0x80, v1, vm1, $0xb8;
	[tilespmem:$0x1F280] =	vst v63  }
0x118: {  	v0 =	vadd.s32 @!p0 v3, v0;
	s13 =	sadd.s32 @!p0 $0x6280, s1  }
0x119: {  	[tilespmem:s13], [sflag:s0] =	stream.indirect_vreg.gather @!p0 [hbm4b:s7+s31], $0x80, v1, vm1, $0xb8;
	[tilespmem:$0x1F280] =	vst v63  }
0x11a: {  	s13 =	sadd.s32 @!p0 $0x6A80, s1  }
0x11b: {  	[tilespmem:s13], [sflag:s0] =	stream.indirect_vreg.gather @!p0 [hbm4b:s8+s31], $0x80, v1, vm1, $0xb8;
	[tilespmem:$0x1F280] =	vst v63  }
0x11c: {  	s13 =	sadd.s32 @!p0 $0x7280, s1  }
0x11d: {  	[tilespmem:s13], [sflag:s0] =	stream.indirect_vreg.gather @!p0 [hbm4b:s2+s31], $0x80, v0, vm1, $0xb8;
	[tilespmem:$0x1F280] =	vst v63  }
0x11e: {  	s13 =	sadd.s32 @!p0 $0x7A80, s1  }
0x11f: {  	[tilespmem:s13], [sflag:s0] =	stream.indirect_vreg.gather @!p0 [hbm4b:s7+s31], $0x80, v0, vm1, $0xb8;
	[tilespmem:$0x1F280] =	vst v63  }
0x120: {  	s1 =	sadd.s32 @!p0 $0x8280, s1  }
0x121: {  	[tilespmem:s1], [sflag:s0] =	stream.indirect_vreg.gather @!p0 [hbm4b:s8+s31], $0x80, v0, vm1, $0xb8;
	[tilespmem:$0x1F280] =	vst v63  }
0x122: {  	s0 =	sadd.s32 $0x1, s22  }
0x123: {  	p0 =	sge.s32 s0, s30  }
0x124: {  	s0 =	sshll.u32 @!p0 s0, $0x4  }
0x125: {  	v0 =	vld @!p0 [tilespmem:s0+$0x4100];
	_ =	sdelay $0x4  }
0x126: {  	v1 =	vshrl.u32 @!p0 v0, $0x3  }
0x127: {  	v1 =	vmul.u32 @!p0 $0x30, v1  }
0x128: {  	v2 =	vlaneseq.u32 @!p0;
	v0 =	vand.u32 @!p0 $0x7, v0  }
0x129: {  	v3 =	vshrl.u32 @!p0 v2, $0x3;
	v0 =	vor.u32 @!p0 v0, v1;
	v1 =	vand.u32 @!p0 $0x7, v2  }
0x12a: {  	v3 =	vmul.u32 @!p0 $0x8, v3;
	v1 =	vperm.xlane @!p0 v0, v1  }
0x12b: {  	s0 =	sand.u32 @!p0 $0x70, s0  }
0x12c: {  	s1 =	sshrl.u32 @!p0 s0, $0x3;
	v1 =	vadd.s32 @!p0 v3, v1  }
0x12d: {  	s1 =	smul.u32 @!p0 $0x6000, s1;
	_ =	sdelay $0x1  }
0x12e: {  	s0 =	sshrl.u32 @!p0 s0, $0x4;
	s1 =	sshrl.u32 @!p0 s1, $0x2;
	v2 =	vor.u32 @!p0 $0x8, v2  }
0x12f: {  	vm1 =	vmmov @!p0 $0xffff;
	s31 =	simm.s32 @!p0 $0x0;
	s0 =	sadd.s32 @!p0 $0x1, s0;
	s13 =	sadd.s32 @!p0 $0x5A80, s1;
	v0 =	vperm.xlane @!p0 v0, v2  }
0x130: {  	[tilespmem:s13], [sflag:s0] =	stream.indirect_vreg.gather @!p0 [hbm4b:s2+s31], $0x80, v1, vm1, $0xb8;
	[tilespmem:$0x1F280] =	vst v63  }
0x131: {  	v0 =	vadd.s32 @!p0 v3, v0;
	s13 =	sadd.s32 @!p0 $0x6280, s1  }
0x132: {  	[tilespmem:s13], [sflag:s0] =	stream.indirect_vreg.gather @!p0 [hbm4b:s7+s31], $0x80, v1, vm1, $0xb8;
	[tilespmem:$0x1F280] =	vst v63  }
0x133: {  	s13 =	sadd.s32 @!p0 $0x6A80, s1  }
0x134: {  	[tilespmem:s13], [sflag:s0] =	stream.indirect_vreg.gather @!p0 [hbm4b:s8+s31], $0x80, v1, vm1, $0xb8;
	[tilespmem:$0x1F280] =	vst v63  }
0x135: {  	s13 =	sadd.s32 @!p0 $0x7280, s1  }
0x136: {  	[tilespmem:s13], [sflag:s0] =	stream.indirect_vreg.gather @!p0 [hbm4b:s2+s31], $0x80, v0, vm1, $0xb8;
	[tilespmem:$0x1F280] =	vst v63  }
0x137: {  	s13 =	sadd.s32 @!p0 $0x7A80, s1  }
0x138: {  	[tilespmem:s13], [sflag:s0] =	stream.indirect_vreg.gather @!p0 [hbm4b:s7+s31], $0x80, v0, vm1, $0xb8;
	[tilespmem:$0x1F280] =	vst v63  }
0x139: {  	s1 =	sadd.s32 @!p0 $0x8280, s1  }
0x13a: {  	[tilespmem:s1], [sflag:s0] =	stream.indirect_vreg.gather @!p0 [hbm4b:s8+s31], $0x80, v0, vm1, $0xb8;
	[tilespmem:$0x1F280] =	vst v63  }
0x13b: {  	s0 =	sadd.s32 $0x2, s22  }
0x13c: {  	p0 =	sge.s32 s0, s30  }
0x13d: {  	s0 =	sshll.u32 @!p0 s0, $0x4  }
0x13e: {  	v0 =	vld @!p0 [tilespmem:s0+$0x4100];
	_ =	sdelay $0x4  }
0x13f: {  	v1 =	vshrl.u32 @!p0 v0, $0x3  }
0x140: {  	v1 =	vmul.u32 @!p0 $0x30, v1  }
0x141: {  	v2 =	vlaneseq.u32 @!p0;
	v0 =	vand.u32 @!p0 $0x7, v0  }
0x142: {  	v3 =	vshrl.u32 @!p0 v2, $0x3;
	v0 =	vor.u32 @!p0 v0, v1;
	v1 =	vand.u32 @!p0 $0x7, v2  }
0x143: {  	v3 =	vmul.u32 @!p0 $0x8, v3;
	v1 =	vperm.xlane @!p0 v0, v1  }
0x144: {  	s0 =	sand.u32 @!p0 $0x70, s0  }
0x145: {  	s1 =	sshrl.u32 @!p0 s0, $0x3;
	v1 =	vadd.s32 @!p0 v3, v1  }
0x146: {  	s1 =	smul.u32 @!p0 $0x6000, s1;
	_ =	sdelay $0x1  }
0x147: {  	s0 =	sshrl.u32 @!p0 s0, $0x4;
	s1 =	sshrl.u32 @!p0 s1, $0x2;
	v2 =	vor.u32 @!p0 $0x8, v2  }
0x148: {  	vm1 =	vmmov @!p0 $0xffff;
	s31 =	simm.s32 @!p0 $0x0;
	s0 =	sadd.s32 @!p0 $0x1, s0;
	s13 =	sadd.s32 @!p0 $0x5A80, s1;
	v0 =	vperm.xlane @!p0 v0, v2  }
0x149: {  	[tilespmem:s13], [sflag:s0] =	stream.indirect_vreg.gather @!p0 [hbm4b:s2+s31], $0x80, v1, vm1, $0xb8;
	[tilespmem:$0x1F280] =	vst v63  }
0x14a: {  	v0 =	vadd.s32 @!p0 v3, v0;
	s13 =	sadd.s32 @!p0 $0x6280, s1  }
0x14b: {  	[tilespmem:s13], [sflag:s0] =	stream.indirect_vreg.gather @!p0 [hbm4b:s7+s31], $0x80, v1, vm1, $0xb8;
	[tilespmem:$0x1F280] =	vst v63  }
0x14c: {  	s13 =	sadd.s32 @!p0 $0x6A80, s1  }
0x14d: {  	[tilespmem:s13], [sflag:s0] =	stream.indirect_vreg.gather @!p0 [hbm4b:s8+s31], $0x80, v1, vm1, $0xb8;
	[tilespmem:$0x1F280] =	vst v63  }
0x14e: {  	s13 =	sadd.s32 @!p0 $0x7280, s1  }
0x14f: {  	[tilespmem:s13], [sflag:s0] =	stream.indirect_vreg.gather @!p0 [hbm4b:s2+s31], $0x80, v0, vm1, $0xb8;
	[tilespmem:$0x1F280] =	vst v63  }
0x150: {  	s13 =	sadd.s32 @!p0 $0x7A80, s1  }
0x151: {  	[tilespmem:s13], [sflag:s0] =	stream.indirect_vreg.gather @!p0 [hbm4b:s7+s31], $0x80, v0, vm1, $0xb8;
	[tilespmem:$0x1F280] =	vst v63  }
0x152: {  	s1 =	sadd.s32 @!p0 $0x8280, s1  }
0x153: {  	[tilespmem:s1], [sflag:s0] =	stream.indirect_vreg.gather @!p0 [hbm4b:s8+s31], $0x80, v0, vm1, $0xb8;
	[tilespmem:$0x1F280] =	vst v63  }
0x154: {  	s0 =	sadd.s32 $0x3, s22  }
0x155: {  	p0 =	sge.s32 s0, s30  }
0x156: {  	s0 =	sshll.u32 @!p0 s0, $0x4  }
0x157: {  	v0 =	vld @!p0 [tilespmem:s0+$0x4100];
	_ =	sdelay $0x4  }
0x158: {  	v1 =	vshrl.u32 @!p0 v0, $0x3  }
0x159: {  	v1 =	vmul.u32 @!p0 $0x30, v1  }
0x15a: {  	v2 =	vlaneseq.u32 @!p0;
	v0 =	vand.u32 @!p0 $0x7, v0  }
0x15b: {  	v3 =	vshrl.u32 @!p0 v2, $0x3;
	v0 =	vor.u32 @!p0 v0, v1;
	v1 =	vand.u32 @!p0 $0x7, v2  }
0x15c: {  	v3 =	vmul.u32 @!p0 $0x8, v3;
	v1 =	vperm.xlane @!p0 v0, v1  }
0x15d: {  	s0 =	sand.u32 @!p0 $0x70, s0  }
0x15e: {  	s1 =	sshrl.u32 @!p0 s0, $0x3;
	v1 =	vadd.s32 @!p0 v3, v1  }
0x15f: {  	s1 =	smul.u32 @!p0 $0x6000, s1;
	_ =	sdelay $0x1  }
0x160: {  	s0 =	sshrl.u32 @!p0 s0, $0x4;
	s1 =	sshrl.u32 @!p0 s1, $0x2;
	v2 =	vor.u32 @!p0 $0x8, v2  }
0x161: {  	vm1 =	vmmov @!p0 $0xffff;
	s31 =	simm.s32 @!p0 $0x0;
	s0 =	sadd.s32 @!p0 $0x1, s0;
	s13 =	sadd.s32 @!p0 $0x5A80, s1;
	v0 =	vperm.xlane @!p0 v0, v2  }
0x162: {  	[tilespmem:s13], [sflag:s0] =	stream.indirect_vreg.gather @!p0 [hbm4b:s2+s31], $0x80, v1, vm1, $0xb8;
	[tilespmem:$0x1F280] =	vst v63  }
0x163: {  	v0 =	vadd.s32 @!p0 v3, v0;
	s13 =	sadd.s32 @!p0 $0x6280, s1  }
0x164: {  	[tilespmem:s13], [sflag:s0] =	stream.indirect_vreg.gather @!p0 [hbm4b:s7+s31], $0x80, v1, vm1, $0xb8;
	[tilespmem:$0x1F280] =	vst v63  }
0x165: {  	s13 =	sadd.s32 @!p0 $0x6A80, s1  }
0x166: {  	[tilespmem:s13], [sflag:s0] =	stream.indirect_vreg.gather @!p0 [hbm4b:s8+s31], $0x80, v1, vm1, $0xb8;
	[tilespmem:$0x1F280] =	vst v63  }
0x167: {  	s13 =	sadd.s32 @!p0 $0x7280, s1  }
0x168: {  	[tilespmem:s13], [sflag:s0] =	stream.indirect_vreg.gather @!p0 [hbm4b:s2+s31], $0x80, v0, vm1, $0xb8;
	[tilespmem:$0x1F280] =	vst v63  }
0x169: {  	s13 =	sadd.s32 @!p0 $0x7A80, s1  }
0x16a: {  	[tilespmem:s13], [sflag:s0] =	stream.indirect_vreg.gather @!p0 [hbm4b:s7+s31], $0x80, v0, vm1, $0xb8;
	[tilespmem:$0x1F280] =	vst v63  }
0x16b: {  	s1 =	sadd.s32 @!p0 $0x8280, s1  }
0x16c: {  	[tilespmem:s1], [sflag:s0] =	stream.indirect_vreg.gather @!p0 [hbm4b:s8+s31], $0x80, v0, vm1, $0xb8;
	[tilespmem:$0x1F280] =	vst v63  }
0x16d: {  	s0 =	sadd.s32 $0x4, s22  }
0x16e: {  	p0 =	sge.s32 s0, s30  }
0x16f: {  	s0 =	sshll.u32 @!p0 s0, $0x4  }
0x170: {  	v0 =	vld @!p0 [tilespmem:s0+$0x4100];
	_ =	sdelay $0x4  }
0x171: {  	v1 =	vshrl.u32 @!p0 v0, $0x3  }
0x172: {  	v1 =	vmul.u32 @!p0 $0x30, v1  }
0x173: {  	v2 =	vlaneseq.u32 @!p0;
	v0 =	vand.u32 @!p0 $0x7, v0  }
0x174: {  	p1 =	sgt.s32 s29, $0x1;
	v3 =	vshrl.u32 @!p0 v2, $0x3;
	v0 =	vor.u32 @!p0 v0, v1;
	v1 =	vand.u32 @!p0 $0x7, v2  }
0x175: {  	s29 =	simm.s32 @!p1 $0x1;
	v3 =	vmul.u32 @!p0 $0x8, v3;
	v1 =	vperm.xlane @!p0 v0, v1  }
0x176: {  	v52 =	vmov s29;
	s0 =	sand.u32 @!p0 $0x70, s0  }
0x177: {  	v52 =	vcvt.s32.f32 v52;
	s1 =	sshrl.u32 @!p0 s0, $0x3;
	v1 =	vadd.s32 @!p0 v3, v1  }
0x178: {  	s1 =	smul.u32 @!p0 $0x6000, s1  }
0x179: {  	v52 =	vbroadcast v52, $0x0  }
0x17a: {  	s0 =	sshrl.u32 @!p0 s0, $0x4;
	s1 =	sshrl.u32 @!p0 s1, $0x2;
	v2 =	vor.u32 @!p0 $0x8, v2  }
0x17b: {  	(erf) = vrcp.f32 v52;
	vm1 =	vmmov @!p0 $0xffff;
	s29 =	simm.s32 @!p0 $0x0;
	s0 =	sadd.s32 @!p0 $0x1, s0;
	s13 =	sadd.s32 @!p0 $0x5A80, s1;
	v0 =	vperm.xlane @!p0 v0, v2  }
0x17c: {  	[tilespmem:s13], [sflag:s0] =	stream.indirect_vreg.gather @!p0 [hbm4b:s2+s29], $0x80, v1, vm1, $0xb8;
	[tilespmem:$0x1F280] =	vst v63  }
0x17d: {  	v0 =	vadd.s32 @!p0 v3, v0;
	s13 =	sadd.s32 @!p0 $0x6280, s1  }
0x17e: {  	[tilespmem:s13], [sflag:s0] =	stream.indirect_vreg.gather @!p0 [hbm4b:s7+s29], $0x80, v1, vm1, $0xb8;
	[tilespmem:$0x1F280] =	vst v63  }
0x17f: {  	s13 =	sadd.s32 @!p0 $0x6A80, s1  }
0x180: {  	[tilespmem:s13], [sflag:s0] =	stream.indirect_vreg.gather @!p0 [hbm4b:s8+s29], $0x80, v1, vm1, $0xb8;
	[tilespmem:$0x1F280] =	vst v63  }
0x181: {  	s13 =	sadd.s32 @!p0 $0x7280, s1  }
0x182: {  	[tilespmem:s13], [sflag:s0] =	stream.indirect_vreg.gather @!p0 [hbm4b:s2+s29], $0x80, v0, vm1, $0xb8;
	[tilespmem:$0x1F280] =	vst v63  }
0x183: {  	s13 =	sadd.s32 @!p0 $0x7A80, s1  }
0x184: {  	v1 =	vpop (erf);
	[tilespmem:s13], [sflag:s0] =	stream.indirect_vreg.gather @!p0 [hbm4b:s7+s29], $0x80, v0, vm1, $0xb8;
	[tilespmem:$0x1F280] =	vst v63  }
0x185: {  	s31 =	sshll.u32 s28, $0x7;
	v4 =	vmul.f32 v4, v1;
	s1 =	sadd.s32 @!p0 $0x8280, s1  }
0x186: {  	v5 =	vmul.f32 v5, v1;
	[tilespmem:s1], [sflag:s0] =	stream.indirect_vreg.gather @!p0 [hbm4b:s8+s29], $0x80, v0, vm1, $0xb8;
	[tilespmem:$0x1F280] =	vst v63  }
0x187: {  	v6 =	vmul.f32 v6, v1;
	[tilespmem:s31+$0x1DA80] =	vst v4  }
0x188: {  	v7 =	vmul.f32 v7, v1;
	[tilespmem:s31+$0x1DA90] =	vst v5  }
0x189: {  	v8 =	vmul.f32 v8, v1;
	[tilespmem:s31+$0x1DAA0] =	vst v6  }
0x18a: {  	v9 =	vmul.f32 v9, v1;
	[tilespmem:s31+$0x1DAB0] =	vst v7  }
0x18b: {  	v10 =	vmul.f32 v10, v1;
	[tilespmem:s31+$0x1DAC0] =	vst v8  }
0x18c: {  	v11 =	vmul.f32 v11, v1;
	[tilespmem:s31+$0x1DAD0] =	vst v9  }
0x18d: {  	v12 =	vmul.f32 v12, v1;
	[tilespmem:s31+$0x1DAE0] =	vst v10  }
0x18e: {  	v13 =	vmul.f32 v13, v1;
	[tilespmem:s31+$0x1DAF0] =	vst v11  }
0x18f: {  	v14 =	vmul.f32 v14, v1;
	[tilespmem:s31+$0x1DE80] =	vst v12  }
0x190: {  	v15 =	vmul.f32 v15, v1;
	[tilespmem:s31+$0x1DE90] =	vst v13  }
0x191: {  	v16 =	vmul.f32 v16, v1;
	[tilespmem:s31+$0x1DEA0] =	vst v14  }
0x192: {  	v17 =	vmul.f32 v17, v1;
	[tilespmem:s31+$0x1DEB0] =	vst v15  }
0x193: {  	v18 =	vmul.f32 v18, v1;
	[tilespmem:s31+$0x1DEC0] =	vst v16  }
0x194: {  	v19 =	vmul.f32 v19, v1;
	[tilespmem:s31+$0x1DED0] =	vst v17  }
0x195: {  	v20 =	vmul.f32 v20, v1;
	[tilespmem:s31+$0x1DEE0] =	vst v18  }
0x196: {  	v21 =	vmul.f32 v21, v1;
	[tilespmem:s31+$0x1DEF0] =	vst v19  }
0x197: {  	v22 =	vmul.f32 v22, v1;
	[tilespmem:s31+$0x1E280] =	vst v20  }
0x198: {  	v23 =	vmul.f32 v23, v1;
	[tilespmem:s31+$0x1E290] =	vst v21  }
0x199: {  	v24 =	vmul.f32 v24, v1;
	[tilespmem:s31+$0x1E2A0] =	vst v22  }
0x19a: {  	v25 =	vmul.f32 v25, v1;
	[tilespmem:s31+$0x1E2B0] =	vst v23  }
0x19b: {  	v26 =	vmul.f32 v26, v1;
	[tilespmem:s31+$0x1E2C0] =	vst v24  }
0x19c: {  	v27 =	vmul.f32 v27, v1;
	[tilespmem:s31+$0x1E2D0] =	vst v25  }
0x19d: {  	v28 =	vmul.f32 v28, v1;
	[tilespmem:s31+$0x1E2E0] =	vst v26  }
0x19e: {  	v29 =	vmul.f32 v29, v1;
	[tilespmem:s31+$0x1E2F0] =	vst v27  }
0x19f: {  	v30 =	vmul.f32 v30, v1;
	[tilespmem:s31+$0x1E680] =	vst v28  }
0x1a0: {  	v31 =	vmul.f32 v31, v1;
	[tilespmem:s31+$0x1E690] =	vst v29  }
0x1a1: {  	v32 =	vmul.f32 v32, v1;
	[tilespmem:s31+$0x1E6A0] =	vst v30  }
0x1a2: {  	v33 =	vmul.f32 v33, v1;
	[tilespmem:s31+$0x1E6B0] =	vst v31  }
0x1a3: {  	v34 =	vmul.f32 v34, v1;
	[tilespmem:s31+$0x1E6C0] =	vst v32  }
0x1a4: {  	v35 =	vmul.f32 v35, v1;
	[tilespmem:s31+$0x1E6D0] =	vst v33  }
0x1a5: {  	v36 =	vmul.f32 v36, v1;
	[tilespmem:s31+$0x1E6E0] =	vst v34  }
0x1a6: {  	v37 =	vmul.f32 v37, v1;
	[tilespmem:s31+$0x1E6F0] =	vst v35  }
0x1a7: {  	v39 =	vmul.f32 v39, v1;
	[tilespmem:s31+$0x1EA80] =	vst v36  }
0x1a8: {  	v52 =	vmul.f32 v40, v1;
	[tilespmem:s31+$0x1EA90] =	vst v37  }
0x1a9: {  	v53 =	vmul.f32 v42, v1;
	[tilespmem:s31+$0x1EAA0] =	vst v39  }
0x1aa: {  	v54 =	vmul.f32 v43, v1;
	[tilespmem:s31+$0x1EAB0] =	vst v52  }
0x1ab: {  	v55 =	vmul.f32 v45, v1;
	[tilespmem:s31+$0x1EAC0] =	vst v53  }
0x1ac: {  	v56 =	vmul.f32 v46, v1;
	[tilespmem:s31+$0x1EAD0] =	vst v54  }
0x1ad: {  	v57 =	vmul.f32 v47, v1;
	[tilespmem:s31+$0x1EAE0] =	vst v55  }
0x1ae: {  	v58 =	vmul.f32 v48, v1;
	[tilespmem:s31+$0x1EAF0] =	vst v56  }
0x1af: {  	v59 =	vmul.f32 v49, v1;
	[tilespmem:s31+$0x1EE80] =	vst v57  }
0x1b0: {  	v60 =	vmul.f32 v50, v1;
	[tilespmem:s31+$0x1EE90] =	vst v58  }
0x1b1: {  	v61 =	vmul.f32 v51, v1;
	p0 =	sne.s32 s28, $0x7;
	[tilespmem:s31+$0x1EEA0] =	vst v59  }
0x1b2: {  	v62 =	vmul.f32 v44, v1;
	[tilespmem:s31+$0x1EEB0] =	vst v60;
	s0 =	sadd.s32 @!p0 s23, s9  }
0x1b3: {  	v63 =	vmul.f32 v41, v1;
	[tilespmem:s31+$0x1EEC0] =	vst v61;
	s0 =	sshrl.u32 @!p0 s0, $0x3  }
0x1b4: {  	v1 =	vmul.f32 v38, v1;
	[tilespmem:s31+$0x1EED0] =	vst v62;
	s0 =	smul.u32 @!p0 $0x300, s0  }
0x1b5: {  	[tilespmem:s31+$0x1EEE0] =	vst v63  }
0x1b6: {  	[tilespmem:s31+$0x1EEF0] =	vst v1;
	s1 =	simm.s32 @!p0 $0x0;
	s13 =	simm.s32 @!p0 $0x1DA80;
	s0 =	sadd.s32 @!p0 s3, s0  }
0x1b7: {  	[hbm4b:s0+s1] =	stream.linear.scatter @!p0 [tilespmem:s13], [sflag:$0x9], $0x1800, $0x38;
	[tilespmem:$0x1F280] =	vst v63  }
0x1b8: {  	s23 =	sadd.s32 $0x1, s23;
	p0 =	sgt.s32 s24, s26  }
0x1b9: {  	s26 =	smov.u32 @p0 s24;
	p0 =	sne.s32 s23, $0x80  }
.Ltmp5:
0x1ba: {  	_ = 	snop;
	(pc) =	sbr.rel @!p0 .LBB2_14-.Ltmp5, $4  }
0x1bb: {  	_ = 	snop  }
0x1bc: {  	p1 =	sgt.s32 s22, s30  }
0x1bd: {  	s30 =	smov.u32 @p1 s22  }
0x1be: {  	s22 =	smov.u32 s30;
	s1 =	smov.u32 s25;
	s24 =	smov.u32 s26  }
.LBB2_6:
0x1bf: {  	v4 =	vld [tilespmem:s23+$0x4000];
	_ =	sdelay $0x4  }
0x1c0: {  	(v2sf) =	vpush v4, $0x0;
	_ =	sdelay $0xe  }
0x1c1: {  	s29 =	spop (v2sf)  }
0x1c2: {  	s25 =	sadd.s32 s1, s29  }
0x1c3: {  	s26 =	sadd.s32 $0xF, s25  }
0x1c4: {  	s26 =	sshrl.u32 s26, $0x4  }
0x1c5: {  	s28 =	sand.u32 $0x7, s23;
	p0 =	seq.s32 s23, $0x0;
	s26 =	smin.u32 s26, s21  }
0x1c6: {  	p1 =	sne.s32 @!p0 s28, $0x0;
	s30 =	ssub.s32 s26, s24  }
0x1c7: {  	p0 =	por p1, p0;
	p1 =	slt.s32 s30, $0x1  }
.Ltmp6:
0x1c8: {  	_ = 	snop;
	(pc) =	sbr.rel @p1 .LBB2_8-.Ltmp6, $4  }
0x1c9: {  	s31 =	simm.s32 @!p0 $0x9  }
0x1ca: {  	_ =	swait.ge @!p0 [sflag:s31], $0x1800  }
0x1cb: {  	[sflag:s31] =	ssyncset.done @!p0 $0x0  }
0x1cc: {  	[sflag:s31] =	ssyncadd.s32 @!p0 $0xFFFFE800  }
0x1cd: {  	s31 =	sand.u32 $0x7, s24  }
0x1ce: {  	p0 =	seq.s32 s30, $0x1;
	s0 =	sadd.s32 $0x1, s31  }
0x1cf: {  	s13 =	sadd.s32 @!p0 $0x1, s24;
	_ =	swait.ge [sflag:s0], $0x3000  }
0x1d0: {  	p1 =	slt.u32 @!p0 s30, $0x3;
	s13 =	sand.u32 @!p0 $0x7, s13;
	[sflag:s0] =	ssyncset.done $0x0  }
0x1d1: {  	p2 =	por p1, p0;
	[sflag:s0] =	ssyncadd.s32 $0xFFFFD000;
	s0 =	sadd.s32 @!p0 $0x1, s13  }
0x1d2: {  	p3 =	seq.s32 @!p2 s30, $0x3;
	s13 =	sadd.s32 @!p2 $0x2, s24;
	_ =	swait.ge @!p0 [sflag:s0], $0x3000  }
0x1d3: {  	p4 =	por @!p0 p3, p1;
	s13 =	sand.u32 @!p2 $0x7, s13;
	[sflag:s0] =	ssyncset.done @!p0 $0x0  }
0x1d4: {  	p4 =	por p4, p0;
	[sflag:s0] =	ssyncadd.s32 @!p0 $0xFFFFD000;
	s0 =	sadd.s32 @!p2 $0x1, s13  }
0x1d5: {  	p5 =	slt.u32 @!p4 s30, $0x5;
	s13 =	sadd.s32 @!p4 $0x3, s24;
	_ =	swait.ge @!p2 [sflag:s0], $0x3000  }
0x1d6: {  	p3 =	por @!p2 p5, p3;
	s13 =	sand.u32 @!p4 $0x7, s13;
	[sflag:s0] =	ssyncset.done @!p2 $0x0  }
0x1d7: {  	p1 =	por @!p0 p3, p1;
	[sflag:s0] =	ssyncadd.s32 @!p2 $0xFFFFD000;
	s0 =	sadd.s32 @!p4 $0x1, s13  }
0x1d8: {  	p0 =	por p1, p0;
	_ =	swait.ge @!p4 [sflag:s0], $0x3000  }
0x1d9: {  	s13 =	sxor.u32 @!p0 $0x4, s31;
	[sflag:s0] =	ssyncset.done @!p4 $0x0  }
0x1da: {  	[sflag:s0] =	ssyncadd.s32 @!p4 $0xFFFFD000;
	s0 =	sadd.s32 @!p0 $0x1, s13  }
0x1db: {  	_ =	swait.ge @!p0 [sflag:s0], $0x3000  }
0x1dc: {  	[sflag:s0] =	ssyncset.done @!p0 $0x0  }
0x1dd: {  	[sflag:s0] =	ssyncadd.s32 @!p0 $0xFFFFD000  }
.LBB2_8:
0x1de: {  	p0 =	slt.s32 s29, $0x1  }
.Ltmp7:
0x1df: {  	_ = 	snop;
	(pc) =	sbr.rel @p0 .LBB2_9-.Ltmp7, $1  }
0x1e0: {  	_ =	sdelay $0x3  }
0x1e1: {  	s31 =	sand.u32 $0x7F, s1  }
0x1e2: {  	s0 =	sshrl.u32 s31, $0x3  }
0x1e3: {  	s0 =	smul.u32 $0x6000, s0  }
0x1e4: {  	s1 =	sshll.u32 s31, $0x7  }
0x1e5: {  	s1 =	sand.u32 $0x380, s1;
	s0 =	sshra.s32 s0, $0x2  }
0x1e6: {  	s30 =	sor.u32 s1, s0  }
0x1e7: {  	v4 =	vld [tilespmem:s30+$0x5A80]  }
0x1e8: {  	v5 =	vld [tilespmem:s30+$0x5A90]  }
0x1e9: {  	v6 =	vld [tilespmem:s30+$0x5AA0]  }
0x1ea: {  	v7 =	vld [tilespmem:s30+$0x5AB0]  }
0x1eb: {  	v8 =	vld [tilespmem:s30+$0x5AC0]  }
0x1ec: {  	v9 =	vld [tilespmem:s30+$0x5AD0]  }
0x1ed: {  	v10 =	vld [tilespmem:s30+$0x5AE0]  }
0x1ee: {  	v11 =	vld [tilespmem:s30+$0x5AF0]  }
0x1ef: {  	v12 =	vld [tilespmem:s30+$0x5E80]  }
0x1f0: {  	v13 =	vld [tilespmem:s30+$0x5E90]  }
0x1f1: {  	v14 =	vld [tilespmem:s30+$0x5EA0]  }
0x1f2: {  	v15 =	vld [tilespmem:s30+$0x5EB0]  }
0x1f3: {  	v16 =	vld [tilespmem:s30+$0x5EC0]  }
0x1f4: {  	v17 =	vld [tilespmem:s30+$0x5ED0]  }
0x1f5: {  	v18 =	vld [tilespmem:s30+$0x5EE0]  }
0x1f6: {  	v19 =	vld [tilespmem:s30+$0x5EF0]  }
0x1f7: {  	v20 =	vld [tilespmem:s30+$0x6280]  }
0x1f8: {  	v32 =	vimm.f32 $0.0e+00;
	v33 =	vimm.f32 $0.0e+00;
	v34 =	vimm.f32 $0.0e+00;
	v21 =	vld [tilespmem:s30+$0x6290]  }
0x1f9: {  	v35 =	vimm.f32 $0.0e+00;
	v36 =	vimm.f32 $0.0e+00;
	v37 =	vimm.f32 $0.0e+00;
	v22 =	vld [tilespmem:s30+$0x62A0]  }
0x1fa: {  	v39 =	vimm.f32 $0.0e+00;
	v23 =	vld [tilespmem:s30+$0x62B0];
	v4 =	vadd.f32 v4, v32;
	v5 =	vadd.f32 v5, v32  }
0x1fb: {  	v40 =	vimm.f32 $0.0e+00;
	v24 =	vld [tilespmem:s30+$0x62C0];
	v6 =	vadd.f32 v6, v32;
	v7 =	vadd.f32 v7, v32  }
0x1fc: {  	v41 =	vimm.f32 $0.0e+00;
	v25 =	vld [tilespmem:s30+$0x62D0];
	v8 =	vadd.f32 v8, v32;
	v9 =	vadd.f32 v9, v32  }
0x1fd: {  	v43 =	vimm.f32 $0.0e+00;
	v26 =	vld [tilespmem:s30+$0x62E0];
	v10 =	vadd.f32 v10, v32;
	v11 =	vadd.f32 v11, v32  }
0x1fe: {  	v38 =	vimm.f32 $0.0e+00;
	v27 =	vld [tilespmem:s30+$0x62F0];
	v12 =	vadd.f32 v12, v32;
	v13 =	vadd.f32 v13, v32  }
0x1ff: {  	v44 =	vimm.f32 $0.0e+00;
	v28 =	vld [tilespmem:s30+$0x6680];
	v14 =	vadd.f32 v14, v32;
	v15 =	vadd.f32 v15, v32  }
0x200: {  	v47 =	vimm.f32 $0.0e+00;
	v29 =	vld [tilespmem:s30+$0x6690];
	v16 =	vadd.f32 v16, v32;
	v17 =	vadd.f32 v17, v32  }
0x201: {  	v48 =	vimm.f32 $0.0e+00;
	v30 =	vld [tilespmem:s30+$0x66A0];
	v18 =	vadd.f32 v18, v32;
	v19 =	vadd.f32 v19, v32  }
0x202: {  	p0 =	sne.s32 s29, $0x1;
	v49 =	vimm.f32 $0.0e+00;
	v31 =	vld [tilespmem:s30+$0x66B0];
	v20 =	vadd.f32 v20, v32;
	v21 =	vadd.f32 v21, v32  }
.Ltmp8:
0x203: {  	v50 =	vimm.f32 $0.0e+00;
	v42 =	vld [tilespmem:s30+$0x66C0];
	v22 =	vadd.f32 v22, v32;
	v23 =	vadd.f32 v23, v32;
	(pc) =	sbr.rel @!p0 .LBB2_12-.Ltmp8, $4  }
0x204: {  	v51 =	vimm.f32 $0.0e+00;
	v45 =	vld [tilespmem:s30+$0x66D0];
	v24 =	vadd.f32 v24, v32;
	v25 =	vadd.f32 v25, v32  }
0x205: {  	v52 =	vimm.f32 $0.0e+00;
	v46 =	vld [tilespmem:s30+$0x66E0];
	v26 =	vadd.f32 v26, v32;
	v27 =	vadd.f32 v27, v32  }
0x206: {  	v53 =	vimm.f32 $0.0e+00;
	v55 =	vld [tilespmem:s30+$0x66F0];
	v28 =	vadd.f32 v28, v32;
	v29 =	vadd.f32 v29, v32  }
0x207: {  	v54 =	vimm.f32 $0.0e+00;
	s1 =	sadd.s32 $0xFFFFFFFF, s29;
	v56 =	vld [tilespmem:s30+$0x6A80];
	v30 =	vadd.f32 v30, v32;
	v31 =	vadd.f32 v31, v32  }
.LBB2_11:
0x208: {  	p0 =	sne.s32 s1, $0x1;
	v32 =	vadd.f32 v42, v32;
	v42 =	vld [tilespmem:s30+$0x6A90]  }
0x209: {  	v33 =	vadd.f32 v45, v33;
	v45 =	vld [tilespmem:s30+$0x6AA0]  }
0x20a: {  	v34 =	vadd.f32 v46, v34;
	v46 =	vld [tilespmem:s30+$0x6AB0]  }
0x20b: {  	v35 =	vadd.f32 v55, v35;
	v55 =	vld [tilespmem:s30+$0x6AC0]  }
0x20c: {  	v36 =	vadd.f32 v56, v36;
	v56 =	vld [tilespmem:s30+$0x6AD0]  }
0x20d: {  	v37 =	vadd.f32 v42, v37;
	v42 =	vld [tilespmem:s30+$0x6AE0]  }
0x20e: {  	v39 =	vadd.f32 v45, v39;
	v45 =	vld [tilespmem:s30+$0x6AF0]  }
0x20f: {  	s31 =	sadd.s32 $0x1, s31;
	v40 =	vadd.f32 v46, v40;
	v46 =	vld [tilespmem:s30+$0x6E80]  }
0x210: {  	p1 =	seq.s32 s31, $0x80;
	v41 =	vadd.f32 v55, v41;
	v55 =	vld [tilespmem:s30+$0x6E90]  }
0x211: {  	s31 =	simm.s32 @p1 $0x0;
	v43 =	vadd.f32 v56, v43;
	v56 =	vld [tilespmem:s30+$0x6EA0]  }
0x212: {  	s0 =	sshrl.u32 s31, $0x3;
	s13 =	sshll.u32 s31, $0x7;
	v38 =	vadd.f32 v42, v38;
	v42 =	vld [tilespmem:s30+$0x6EB0]  }
0x213: {  	s13 =	sand.u32 $0x380, s13;
	s0 =	smul.u32 $0x6000, s0;
	v44 =	vadd.f32 v45, v44;
	v45 =	vld [tilespmem:s30+$0x6EC0]  }
0x214: {  	v47 =	vadd.f32 v46, v47;
	v46 =	vld [tilespmem:s30+$0x6ED0]  }
0x215: {  	s0 =	sshra.s32 s0, $0x2;
	v48 =	vadd.f32 v55, v48;
	v55 =	vld [tilespmem:s30+$0x6EE0]  }
0x216: {  	v49 =	vadd.f32 v56, v49;
	v56 =	vld [tilespmem:s30+$0x6EF0];
	s30 =	sor.u32 s13, s0  }
0x217: {  	v57 =	vld [tilespmem:s30+$0x5A80];
	v50 =	vadd.f32 v42, v50  }
0x218: {  	v42 =	vld [tilespmem:s30+$0x5A90];
	v51 =	vadd.f32 v45, v51  }
0x219: {  	v45 =	vld [tilespmem:s30+$0x5AA0];
	v52 =	vadd.f32 v46, v52  }
0x21a: {  	v46 =	vld [tilespmem:s30+$0x5AB0];
	v53 =	vadd.f32 v55, v53  }
0x21b: {  	v55 =	vld [tilespmem:s30+$0x5AC0];
	v54 =	vadd.f32 v56, v54  }
0x21c: {  	v4 =	vadd.f32 v57, v4;
	v56 =	vld [tilespmem:s30+$0x5AD0]  }
0x21d: {  	v5 =	vadd.f32 v42, v5;
	v42 =	vld [tilespmem:s30+$0x5AE0]  }
0x21e: {  	v6 =	vadd.f32 v45, v6;
	v45 =	vld [tilespmem:s30+$0x5AF0]  }
0x21f: {  	v7 =	vadd.f32 v46, v7;
	v46 =	vld [tilespmem:s30+$0x5E80]  }
0x220: {  	v8 =	vadd.f32 v55, v8;
	v55 =	vld [tilespmem:s30+$0x5E90]  }
0x221: {  	v9 =	vadd.f32 v56, v9;
	v56 =	vld [tilespmem:s30+$0x5EA0]  }
0x222: {  	v10 =	vadd.f32 v42, v10;
	v42 =	vld [tilespmem:s30+$0x5EB0]  }
0x223: {  	v11 =	vadd.f32 v45, v11;
	v45 =	vld [tilespmem:s30+$0x5EC0]  }
0x224: {  	v12 =	vadd.f32 v46, v12;
	v46 =	vld [tilespmem:s30+$0x5ED0]  }
0x225: {  	v13 =	vadd.f32 v55, v13;
	v55 =	vld [tilespmem:s30+$0x5EE0]  }
0x226: {  	v14 =	vadd.f32 v56, v14;
	v56 =	vld [tilespmem:s30+$0x5EF0]  }
0x227: {  	v15 =	vadd.f32 v42, v15;
	v42 =	vld [tilespmem:s30+$0x6280]  }
0x228: {  	v16 =	vadd.f32 v45, v16;
	v45 =	vld [tilespmem:s30+$0x6290]  }
0x229: {  	v17 =	vadd.f32 v46, v17;
	v46 =	vld [tilespmem:s30+$0x62A0]  }
0x22a: {  	v18 =	vadd.f32 v55, v18;
	v55 =	vld [tilespmem:s30+$0x62B0]  }
0x22b: {  	v19 =	vadd.f32 v56, v19;
	v56 =	vld [tilespmem:s30+$0x62C0]  }
0x22c: {  	v20 =	vadd.f32 v42, v20;
	v42 =	vld [tilespmem:s30+$0x62D0]  }
0x22d: {  	v21 =	vadd.f32 v45, v21;
	v45 =	vld [tilespmem:s30+$0x62E0]  }
0x22e: {  	v22 =	vadd.f32 v46, v22;
	v46 =	vld [tilespmem:s30+$0x62F0]  }
0x22f: {  	v23 =	vadd.f32 v55, v23;
	v55 =	vld [tilespmem:s30+$0x6680]  }
0x230: {  	v24 =	vadd.f32 v56, v24;
	v56 =	vld [tilespmem:s30+$0x6690]  }
0x231: {  	v25 =	vadd.f32 v42, v25;
	v57 =	vld [tilespmem:s30+$0x66A0]  }
0x232: {  	v26 =	vadd.f32 v45, v26;
	v58 =	vld [tilespmem:s30+$0x66B0]  }
.Ltmp9:
0x233: {  	v27 =	vadd.f32 v46, v27;
	v42 =	vld [tilespmem:s30+$0x66C0];
	(pc) =	sbr.rel @p0 .LBB2_11-.Ltmp9, $4  }
0x234: {  	v28 =	vadd.f32 v55, v28;
	v45 =	vld [tilespmem:s30+$0x66D0]  }
0x235: {  	v29 =	vadd.f32 v56, v29;
	v46 =	vld [tilespmem:s30+$0x66E0]  }
0x236: {  	v30 =	vadd.f32 v57, v30;
	v55 =	vld [tilespmem:s30+$0x66F0]  }
0x237: {  	s1 =	sadd.s32 $0xFFFFFFFF, s1;
	v31 =	vadd.f32 v58, v31;
	v56 =	vld [tilespmem:s30+$0x6A80]  }
.LBB2_12:
0x238: {  	v57 =	vld [tilespmem:s30+$0x6A90]  }
0x239: {  	v58 =	vld [tilespmem:s30+$0x6AA0]  }
0x23a: {  	v59 =	vld [tilespmem:s30+$0x6AB0]  }
0x23b: {  	v60 =	vld [tilespmem:s30+$0x6AC0]  }
0x23c: {  	v61 =	vld [tilespmem:s30+$0x6AD0]  }
0x23d: {  	v62 =	vld [tilespmem:s30+$0x6AE0]  }
0x23e: {  	v63 =	vld [tilespmem:s30+$0x6AF0]  }
0x23f: {  	v1 =	vld [tilespmem:s30+$0x6E80]  }
0x240: {  	v3 =	vld [tilespmem:s30+$0x6E90]  }
0x241: {  	v0 =	vld [tilespmem:s30+$0x6EA0]  }
0x242: {  	v32 =	vadd.f32 v42, v32;
	v2 =	vld [tilespmem:s30+$0x6EB0];
	v33 =	vadd.f32 v45, v33  }
0x243: {  	v34 =	vadd.f32 v46, v34;
	v35 =	vadd.f32 v55, v35;
	v55 =	vld [tilespmem:s30+$0x6EC0]  }
0x244: {  	v36 =	vadd.f32 v56, v36;
	v56 =	vld [tilespmem:s30+$0x6ED0];
	v37 =	vadd.f32 v57, v37  }
0x245: {  	v39 =	vadd.f32 v58, v39;
	v40 =	vadd.f32 v59, v40;
	v57 =	vld [tilespmem:s30+$0x6EE0]  }
0x246: {  	v42 =	vadd.f32 v60, v41;
	v43 =	vadd.f32 v61, v43;
	v61 =	vld [tilespmem:s30+$0x6EF0]  }
.Ltmp10:
0x247: {  	v45 =	vadd.f32 v62, v38;
	v46 =	vadd.f32 v63, v44;
	(pc) =	sbr.rel .LBB2_13-.Ltmp10, $4  }
0x248: {  	v47 =	vadd.f32 v1, v47;
	v48 =	vadd.f32 v3, v48  }
0x249: {  	v49 =	vadd.f32 v0, v49;
	v50 =	vadd.f32 v2, v50  }
0x24a: {  	v51 =	vadd.f32 v55, v51;
	v44 =	vadd.f32 v56, v52  }
0x24b: {  	v41 =	vadd.f32 v57, v53;
	v38 =	vadd.f32 v61, v54  }
.LBB2_15:
0x24c: {  	_ =	sfence.sel $0x180000  }
0x24d: {  	[bflag:$0x0] =	sbarrier.arrive $0xFFFF  }
0x24e: {  	_ =	strace $0x90000047  }
0x24f: {  	s0 =	stileid.u32;
	[bflag:$0x2] =	sbarrier.arrive $0xFFFF  }
0x250: {  	p0 =	sne.s32 s0, $0x0;
	s0 =	rddreg [dreg:$0x4]  }
0x251: {  	s0 =	sadd.s32 @!p0 $0x100000, s0  }
0x252: {  	[sflag:s0] =	ssyncadd.tile.s32 @!p0 $0x1;
	_ =	shalt  }
.Lfunc_end2:
_tile_overlayer_lowered:
.L_overlay_start_2:
0x253: {  	(tag) =	ssettag $0x2  }
0x254: {  	s0 =	rddreg [dreg:$0x0];
	s2 =	stileid.u32  }
0x255: {  	s1 =	rddreg [dreg:$0x1];
	p0 =	sne.s32 s2, $0x0  }
0x256: {  	s3 =	rddreg [dreg:$0x2];
	[bflag:$0x3] =	sbarrier.arrive $0xFFFF;
	s2 =	simm.s32 @!p0 $0x1C0A  }
0x257: {  	[timem:s3], [sflag:s2] =	dma.local @!p0 [hbm:s0], s1  }
0x258: {  	s0 =	simm.s32 @!p0 $0xA  }
0x259: {  	_ =	swait.ge @!p0 [sflag:s0], s1  }
0x25a: {  	s1 =	ssub.s32 @!p0 $0x0, s1;
	[sflag:s0] =	ssyncset.done @!p0 $0x0  }
0x25b: {  	[sflag:s0] =	ssyncadd.s32 @!p0 s1  }
0x25c: {  	[bflag:$0x3] =	sbarrier.arrive $0xFFFF  }
0x25d: {  	_ =	shalt  }

</sc_bundles>
